<compile_context>
chip_gen: v7x
topology: tpu7x:2x2x1
jax: 0.10.2.dev20260603
libtpu: 0.0.44.dev20260713+nightly
codegen_flags: <defaults>
</compile_context>

<pallas_src>
import functools

import jax
import jax.numpy as jnp
from jax import lax
from jax.experimental import pallas as pl
from jax.experimental.pallas import tpu as pltpu
from jax.experimental.pallas import tpu_sc as plsc

BINS = 2048
ROWS = 8192
COLS = 4096
_info = plsc.get_sparse_core_info()
NC, NS, L = _info.num_cores, _info.num_subcores, _info.num_lanes
NW = NC * NS
RPW = ROWS // NW
RPC = 8
NCH = RPW // RPC
CB = COLS // L
U = 8

_mesh = plsc.VectorSubcoreMesh(core_axis_name="c", subcore_axis_name="s")
_params = pltpu.CompilerParams(
    needs_layout_passes=False, use_tc_tiling_on_sc=True)

_gdn = lax.GatherDimensionNumbers(
    offset_dims=(), collapsed_slice_dims=(0,), start_index_map=(0,))


def _permute(v, idx):
    return lax.gather(
        v, idx[:, None], _gdn, slice_sizes=(1,),
        unique_indices=True, indices_are_sorted=False,
        mode=lax.GatherScatterMode.PROMISE_IN_BOUNDS)


def _mm_body(x_ref, mn_ref, mx_ref):
    i = pl.program_id(0)

    @pl.when(i == 0)
    def _():
        mn_ref[...] = jnp.full((8, 128), jnp.inf, jnp.float32)
        mx_ref[...] = jnp.full((8, 128), -jnp.inf, jnp.float32)

    xb = x_ref[...]
    mn_ref[...] = jnp.minimum(mn_ref[...], jnp.min(xb))
    mx_ref[...] = jnp.maximum(mx_ref[...], jnp.max(xb))


_minmax_tc = pl.pallas_call(
    _mm_body,
    grid=(ROWS // RPW,),
    in_specs=[pl.BlockSpec((RPW, COLS), lambda i: (i, 0))],
    out_specs=[
        pl.BlockSpec((8, 128), lambda i: (0, 0)),
        pl.BlockSpec((8, 128), lambda i: (0, 0)),
    ],
    out_shape=[
        jax.ShapeDtypeStruct((8, 128), jnp.float32),
        jax.ShapeDtypeStruct((8, 128), jnp.float32),
    ],
)


@functools.partial(
    pl.kernel,
    mesh=_mesh,
    out_type=jax.ShapeDtypeStruct((NW, BINS), jnp.float32),
    scratch_types=[
        pltpu.VMEM((2, RPC, COLS), jnp.float32),
        pltpu.VMEM((8, 128), jnp.float32),
        pltpu.VMEM((8, 128), jnp.float32),
        pltpu.VMEM((BINS * L,), jnp.float32),
        pltpu.VMEM((BINS,), jnp.float32),
        pltpu.SemaphoreType.DMA,
        pltpu.SemaphoreType.DMA,
    ],
    compiler_params=_params,
)
def _hist_k(x_hbm, pmin_hbm, pmax_hbm, out_hbm, xbuf, pmin_v, pmax_v,
            hist_v, hout_v, sem0, sem1):
    wid = lax.axis_index("s") * NC + lax.axis_index("c")
    row0 = wid * RPW

    pltpu.sync_copy(pmin_hbm, pmin_v)
    pltpu.sync_copy(pmax_hbm, pmax_v)

    mnv = pmin_v[0, pl.ds(0, L)]
    mxv = pmax_v[0, pl.ds(0, L)]
    for r in range(8):
        for q in range(128 // L):
            if r == 0 and q == 0:
                continue
            mnv = jnp.minimum(mnv, pmin_v[r, pl.ds(q * L, L)])
            mxv = jnp.maximum(mxv, pmax_v[r, pl.ds(q * L, L)])
    lane = lax.iota(jnp.int32, L)
    perms = [lane ^ s for s in (8, 4, 2, 1)]
    for p in perms:
        mnv = jnp.minimum(mnv, _permute(mnv, p))
        mxv = jnp.maximum(mxv, _permute(mxv, p))
    mns = mnv[0]
    mxs = mxv[0]

    rng = mxs - mns
    rmin = mns - 0.5 * rng
    rmax = mxs + 0.5 * rng
    bw = (rmax - rmin) * (1.0 / BINS)
    rmin2 = rmin + bw * (1.0 / 32.0)
    rminv = jnp.full((L,), rmin2, jnp.float32)
    invv = 1.0 / jnp.full((L,), bw, jnp.float32)
    magicv = jnp.full((L,), 2.0 ** 19, jnp.float32)

    zero16 = jnp.zeros((L,), jnp.float32)

    def z_body(b, _):
        hist_v[pl.ds(b * L, L)] = zero16
        return 0

    lax.fori_loop(0, BINS, z_body, 0)

    one16 = jnp.full((L,), 1.0, jnp.float32)
    sems = (sem0, sem1)

    def _start(chunk, b):
        pltpu.make_async_copy(
            x_hbm.at[pl.ds(row0 + chunk * RPC, RPC)], xbuf.at[b], sems[b]
        ).start()

    def _wait(b):
        pltpu.make_async_copy(
            x_hbm.at[pl.ds(0, RPC)], xbuf.at[b], sems[b]
        ).wait()

    _start(0, 0)

    def outer_body(c2, _):
        for b in range(2):
            chunk = c2 * 2 + b

            @pl.when(chunk + 1 < NCH)
            def _():
                _start(chunk + 1, 1 - b)

            _wait(b)

            @plsc.parallel_loop(0, CB)
            def vec_body(i):
                vs = [xbuf[b, j, pl.ds(i * L, L)] for j in range(U)]
                ts = [(v - rminv) * invv + magicv for v in vs]
                bs = [lax.bitcast_convert_type(t, jnp.int32) for t in ts]
                addrs = [(bj & 0x7FF0) | lane for bj in bs]
                for a in addrs:
                    plsc.addupdate_scatter(hist_v, [a], one16)
        return 0

    lax.fori_loop(0, NCH // 2, outer_body, 0)

    def f_body(g, _):
        out = jnp.zeros((L,), jnp.float32)
        for j in range(L):
            v = hist_v[pl.ds((g * L + j) * L, L)]
            for p in perms:
                v = v + _permute(v, p)
            out = jnp.where(lane == j, v, out)
        hout_v[pl.ds(g * L, L)] = out
        return 0

    lax.fori_loop(0, BINS // L, f_body, 0)
    pltpu.sync_copy(hout_v, out_hbm.at[wid])


def kernel(x):
    mn, mx = _minmax_tc(x)
    parts = _hist_k(x, mn, mx)
    return jnp.sum(parts, axis=0)

# --- scband reference (transcript-rebuilt; emitter-appended) ---
"""Pipeline reference for scband-histogram-observer-39548058862341 (READ-ONLY COPY).

The authoritative reference and input builder live on the scoring server;
editing this copy changes nothing except your own understanding.
"""

import jax, jax.numpy as jnp
import numpy as np

BINS = 2048


def setup_inputs(seed: int = 0) -> dict:
    key = jax.random.key(seed)
    x = jax.random.normal(key, (8192, 4096), dtype=jnp.float32)
    return {"x": x}


def reference(x):
    # First-call path of HistogramObserver.forward:
    #   min_val = min(x); max_val = max(x)
    #   range = max - min
    #   relaxed_min = min - 0.5*range; relaxed_max = max + 0.5*range
    #   histogram = histc(x, bins, min=relaxed_min, max=relaxed_max)
    min_val = jnp.min(x)
    max_val = jnp.max(x)
    rng = max_val - min_val
    relaxed_min = min_val - 0.5 * rng
    relaxed_max = max_val + 0.5 * rng
    # torch.histc: uniform bins over [relaxed_min, relaxed_max]; since the
    # relaxed range strictly contains all values of x, every element lands
    # in-range. Bin index = floor((v - min) / bin_width), clamped so that
    # v == relaxed_max falls in the last bin.
    bin_width = (relaxed_max - relaxed_min) / BINS
    flat = x.reshape(-1)
    idx = jnp.floor((flat - relaxed_min) / bin_width).astype(jnp.int32)
    idx = jnp.clip(idx, 0, BINS - 1)
    histogram = jnp.zeros((BINS,), dtype=jnp.float32).at[idx].add(1.0)
    return histogram

if __name__ == "__main__":
    import jax
    _d = setup_inputs()
    print(jax.jit(kernel)(*tuple(_d.values())))

</pallas_src>

<mosaic_0001>
#map = affine_map<(d0, d1) -> (0, 0)>
module attributes {stable_mosaic.version = 14 : i64} {
  func.func @_hist_k(%arg0: i32, %arg1: i32, %arg2: memref<8192x4096xf32, #tpu.memory_space<hbm>>, %arg3: memref<8x128xf32, #tpu.memory_space<hbm>>, %arg4: memref<8x128xf32, #tpu.memory_space<hbm>>, %arg5: memref<32x2048xf32, #tpu.memory_space<hbm>>, %arg6: memref<2x8x4096xf32, #tpu.memory_space<vmem>>, %arg7: memref<8x128xf32, #tpu.memory_space<vmem>>, %arg8: memref<8x128xf32, #tpu.memory_space<vmem>>, %arg9: memref<32768xf32, #tpu.memory_space<vmem>>, %arg10: memref<2048xf32, #tpu.memory_space<vmem>>, %arg11: memref<!tpu.dma_semaphore, #tpu.memory_space<semaphore_mem>>, %arg12: memref<!tpu.dma_semaphore, #tpu.memory_space<semaphore_mem>>) attributes {dimension_semantics = [#tpu.dimension_semantics<core_parallel>, #tpu.dimension_semantics<subcore_parallel>], iteration_bounds = array<i64: 2, 16>, scalar_prefetch = 0 : i64, scratch_operands = 7 : i64, tpu.core_type = #tpu.core_type<sc_vector_subcore>, window_params = [{transform_indices = #map}, {transform_indices = #map}, {transform_indices = #map}, {transform_indices = #map}]} {
    %mul3A = arith.constant 2 : i32
    %mul3A_0 = arith.muli %arg1, %mul3A : i32
    %add3A = arith.addi %mul3A_0, %arg0 : i32
    %mul3A_1 = arith.constant 256 : i32
    %mul3A_2 = arith.muli %add3A, %mul3A_1 : i32
    "tpu.region"() ({
      %run_scoped3A = tpu.sem_alloc : memref<!tpu.dma_semaphore, #tpu.memory_space<semaphore_mem>>
      tpu.enqueue_dma source(%arg3 : memref<8x128xf32, #tpu.memory_space<hbm>>) target(%arg7 : memref<8x128xf32, #tpu.memory_space<vmem>>) target_semaphore(%run_scoped3A : memref<!tpu.dma_semaphore, #tpu.memory_space<semaphore_mem>>)
      tpu.wait_dma2 semaphore(%run_scoped3A : memref<!tpu.dma_semaphore, #tpu.memory_space<semaphore_mem>>) src(%arg3 : memref<8x128xf32, #tpu.memory_space<hbm>>) dst(%arg7 : memref<8x128xf32, #tpu.memory_space<vmem>>)
      tpu.yield
    }) : () -> ()
    "tpu.region"() ({
      %run_scoped3A = tpu.sem_alloc : memref<!tpu.dma_semaphore, #tpu.memory_space<semaphore_mem>>
      tpu.enqueue_dma source(%arg4 : memref<8x128xf32, #tpu.memory_space<hbm>>) target(%arg8 : memref<8x128xf32, #tpu.memory_space<vmem>>) target_semaphore(%run_scoped3A : memref<!tpu.dma_semaphore, #tpu.memory_space<semaphore_mem>>)
      tpu.wait_dma2 semaphore(%run_scoped3A : memref<!tpu.dma_semaphore, #tpu.memory_space<semaphore_mem>>) src(%arg4 : memref<8x128xf32, #tpu.memory_space<hbm>>) dst(%arg8 : memref<8x128xf32, #tpu.memory_space<vmem>>)
      tpu.yield
    }) : () -> ()
    %get3A = arith.constant 0 : i32
    %get3A_3 = arith.index_cast %get3A : i32 to index
    %get3A_4 = arith.constant 0 : index
    %get3A_5 = tpu.vector_load %arg7[%get3A_3, %get3A_4] {strides = array<i32>} : memref<8x128xf32, #tpu.memory_space<vmem>>, vector<16xf32>,
    %get3A_6 = arith.constant 0 : i32
    %get3A_7 = arith.index_cast %get3A_6 : i32 to index
    %get3A_8 = arith.constant 0 : index
    %get3A_9 = tpu.vector_load %arg8[%get3A_7, %get3A_8] {strides = array<i32>} : memref<8x128xf32, #tpu.memory_space<vmem>>, vector<16xf32>,
    %get3A_10 = arith.constant 0 : i32
    %get3A_11 = arith.index_cast %get3A_10 : i32 to index
    %get3A_12 = arith.constant 16 : index
    %get3A_13 = tpu.vector_load %arg7[%get3A_11, %get3A_12] {strides = array<i32>} : memref<8x128xf32, #tpu.memory_space<vmem>>, vector<16xf32>,
    %min3A = arith.minimumf %get3A_5, %get3A_13 : vector<16xf32>
    %get3A_14 = arith.constant 0 : i32
    %get3A_15 = arith.index_cast %get3A_14 : i32 to index
    %get3A_16 = arith.constant 16 : index
    %get3A_17 = tpu.vector_load %arg8[%get3A_15, %get3A_16] {strides = array<i32>} : memref<8x128xf32, #tpu.memory_space<vmem>>, vector<16xf32>,
    %max3A = arith.maximumf %get3A_9, %get3A_17 : vector<16xf32>
    %get3A_18 = arith.constant 0 : i32
    %get3A_19 = arith.index_cast %get3A_18 : i32 to index
    %get3A_20 = arith.constant 32 : index
    %get3A_21 = tpu.vector_load %arg7[%get3A_19, %get3A_20] {strides = array<i32>} : memref<8x128xf32, #tpu.memory_space<vmem>>, vector<16xf32>,
    %min3A_22 = arith.minimumf %min3A, %get3A_21 : vector<16xf32>
    %get3A_23 = arith.constant 0 : i32
    %get3A_24 = arith.index_cast %get3A_23 : i32 to index
    %get3A_25 = arith.constant 32 : index
    %get3A_26 = tpu.vector_load %arg8[%get3A_24, %get3A_25] {strides = array<i32>} : memref<8x128xf32, #tpu.memory_space<vmem>>, vector<16xf32>,
    %max3A_27 = arith.maximumf %max3A, %get3A_26 : vector<16xf32>
    %get3A_28 = arith.constant 0 : i32
    %get3A_29 = arith.index_cast %get3A_28 : i32 to index
    %get3A_30 = arith.constant 48 : index
    %get3A_31 = tpu.vector_load %arg7[%get3A_29, %get3A_30] {strides = array<i32>} : memref<8x128xf32, #tpu.memory_space<vmem>>, vector<16xf32>,
    %min3A_32 = arith.minimumf %min3A_22, %get3A_31 : vector<16xf32>
    %get3A_33 = arith.constant 0 : i32
    %get3A_34 = arith.index_cast %get3A_33 : i32 to index
    %get3A_35 = arith.constant 48 : index
    %get3A_36 = tpu.vector_load %arg8[%get3A_34, %get3A_35] {strides = array<i32>} : memref<8x128xf32, #tpu.memory_space<vmem>>, vector<16xf32>,
    %max3A_37 = arith.maximumf %max3A_27, %get3A_36 : vector<16xf32>
    %get3A_38 = arith.constant 0 : i32
    %get3A_39 = arith.index_cast %get3A_38 : i32 to index
    %get3A_40 = arith.constant 64 : index
    %get3A_41 = tpu.vector_load %arg7[%get3A_39, %get3A_40] {strides = array<i32>} : memref<8x128xf32, #tpu.memory_space<vmem>>, vector<16xf32>,
    %min3A_42 = arith.minimumf %min3A_32, %get3A_41 : vector<16xf32>
    %get3A_43 = arith.constant 0 : i32
    %get3A_44 = arith.index_cast %get3A_43 : i32 to index
    %get3A_45 = arith.constant 64 : index
    %get3A_46 = tpu.vector_load %arg8[%get3A_44, %get3A_45] {strides = array<i32>} : memref<8x128xf32, #tpu.memory_space<vmem>>, vector<16xf32>,
    %max3A_47 = arith.maximumf %max3A_37, %get3A_46 : vector<16xf32>
    %get3A_48 = arith.constant 0 : i32
    %get3A_49 = arith.index_cast %get3A_48 : i32 to index
    %get3A_50 = arith.constant 80 : index
    %get3A_51 = tpu.vector_load %arg7[%get3A_49, %get3A_50] {strides = array<i32>} : memref<8x128xf32, #tpu.memory_space<vmem>>, vector<16xf32>,
    %min3A_52 = arith.minimumf %min3A_42, %get3A_51 : vector<16xf32>
    %get3A_53 = arith.constant 0 : i32
    %get3A_54 = arith.index_cast %get3A_53 : i32 to index
    %get3A_55 = arith.constant 80 : index
    %get3A_56 = tpu.vector_load %arg8[%get3A_54, %get3A_55] {strides = array<i32>} : memref<8x128xf32, #tpu.memory_space<vmem>>, vector<16xf32>,
    %max3A_57 = arith.maximumf %max3A_47, %get3A_56 : vector<16xf32>
    %get3A_58 = arith.constant 0 : i32
    %get3A_59 = arith.index_cast %get3A_58 : i32 to index
    %get3A_60 = arith.constant 96 : index
    %get3A_61 = tpu.vector_load %arg7[%get3A_59, %get3A_60] {strides = array<i32>} : memref<8x128xf32, #tpu.memory_space<vmem>>, vector<16xf32>,
    %min3A_62 = arith.minimumf %min3A_52, %get3A_61 : vector<16xf32>
    %get3A_63 = arith.constant 0 : i32
    %get3A_64 = arith.index_cast %get3A_63 : i32 to index
    %get3A_65 = arith.constant 96 : index
    %get3A_66 = tpu.vector_load %arg8[%get3A_64, %get3A_65] {strides = array<i32>} : memref<8x128xf32, #tpu.memory_space<vmem>>, vector<16xf32>,
    %max3A_67 = arith.maximumf %max3A_57, %get3A_66 : vector<16xf32>
    %get3A_68 = arith.constant 0 : i32
    %get3A_69 = arith.index_cast %get3A_68 : i32 to index
    %get3A_70 = arith.constant 112 : index
    %get3A_71 = tpu.vector_load %arg7[%get3A_69, %get3A_70] {strides = array<i32>} : memref<8x128xf32, #tpu.memory_space<vmem>>, vector<16xf32>,
    %min3A_72 = arith.minimumf %min3A_62, %get3A_71 : vector<16xf32>
    %get3A_73 = arith.constant 0 : i32
    %get3A_74 = arith.index_cast %get3A_73 : i32 to index
    %get3A_75 = arith.constant 112 : index
    %get3A_76 = tpu.vector_load %arg8[%get3A_74, %get3A_75] {strides = array<i32>} : memref<8x128xf32, #tpu.memory_space<vmem>>, vector<16xf32>,
    %max3A_77 = arith.maximumf %max3A_67, %get3A_76 : vector<16xf32>
    %get3A_78 = arith.constant 1 : i32
    %get3A_79 = arith.index_cast %get3A_78 : i32 to index
    %get3A_80 = arith.constant 0 : index
    %get3A_81 = tpu.vector_load %arg7[%get3A_79, %get3A_80] {strides = array<i32>} : memref<8x128xf32, #tpu.memory_space<vmem>>, vector<16xf32>,
    %min3A_82 = arith.minimumf %min3A_72, %get3A_81 : vector<16xf32>
    %get3A_83 = arith.constant 1 : i32
    %get3A_84 = arith.index_cast %get3A_83 : i32 to index
    %get3A_85 = arith.constant 0 : index
    %get3A_86 = tpu.vector_load %arg8[%get3A_84, %get3A_85] {strides = array<i32>} : memref<8x128xf32, #tpu.memory_space<vmem>>, vector<16xf32>,
    %max3A_87 = arith.maximumf %max3A_77, %get3A_86 : vector<16xf32>
    %get3A_88 = arith.constant 1 : i32
    %get3A_89 = arith.index_cast %get3A_88 : i32 to index
    %get3A_90 = arith.constant 16 : index
    %get3A_91 = tpu.vector_load %arg7[%get3A_89, %get3A_90] {strides = array<i32>} : memref<8x128xf32, #tpu.memory_space<vmem>>, vector<16xf32>,
    %min3A_92 = arith.minimumf %min3A_82, %get3A_91 : vector<16xf32>
    %get3A_93 = arith.constant 1 : i32
    %get3A_94 = arith.index_cast %get3A_93 : i32 to index
    %get3A_95 = arith.constant 16 : index
    %get3A_96 = tpu.vector_load %arg8[%get3A_94, %get3A_95] {strides = array<i32>} : memref<8x128xf32, #tpu.memory_space<vmem>>, vector<16xf32>,
    %max3A_97 = arith.maximumf %max3A_87, %get3A_96 : vector<16xf32>
    %get3A_98 = arith.constant 1 : i32
    %get3A_99 = arith.index_cast %get3A_98 : i32 to index
    %get3A_100 = arith.constant 32 : index
    %get3A_101 = tpu.vector_load %arg7[%get3A_99, %get3A_100] {strides = array<i32>} : memref<8x128xf32, #tpu.memory_space<vmem>>, vector<16xf32>,
    %min3A_102 = arith.minimumf %min3A_92, %get3A_101 : vector<16xf32>
    %get3A_103 = arith.constant 1 : i32
    %get3A_104 = arith.index_cast %get3A_103 : i32 to index
    %get3A_105 = arith.constant 32 : index
    %get3A_106 = tpu.vector_load %arg8[%get3A_104, %get3A_105] {strides = array<i32>} : memref<8x128xf32, #tpu.memory_space<vmem>>, vector<16xf32>,
    %max3A_107 = arith.maximumf %max3A_97, %get3A_106 : vector<16xf32>
    %get3A_108 = arith.constant 1 : i32
    %get3A_109 = arith.index_cast %get3A_108 : i32 to index
    %get3A_110 = arith.constant 48 : index
    %get3A_111 = tpu.vector_load %arg7[%get3A_109, %get3A_110] {strides = array<i32>} : memref<8x128xf32, #tpu.memory_space<vmem>>, vector<16xf32>,
    %min3A_112 = arith.minimumf %min3A_102, %get3A_111 : vector<16xf32>
    %get3A_113 = arith.constant 1 : i32
    %get3A_114 = arith.index_cast %get3A_113 : i32 to index
    %get3A_115 = arith.constant 48 : index
    %get3A_116 = tpu.vector_load %arg8[%get3A_114, %get3A_115] {strides = array<i32>} : memref<8x128xf32, #tpu.memory_space<vmem>>, vector<16xf32>,
    %max3A_117 = arith.maximumf %max3A_107, %get3A_116 : vector<16xf32>
    %get3A_118 = arith.constant 1 : i32
    %get3A_119 = arith.index_cast %get3A_118 : i32 to index
    %get3A_120 = arith.constant 64 : index
    %get3A_121 = tpu.vector_load %arg7[%get3A_119, %get3A_120] {strides = array<i32>} : memref<8x128xf32, #tpu.memory_space<vmem>>, vector<16xf32>,
    %min3A_122 = arith.minimumf %min3A_112, %get3A_121 : vector<16xf32>
    %get3A_123 = arith.constant 1 : i32
    %get3A_124 = arith.index_cast %get3A_123 : i32 to index
    %get3A_125 = arith.constant 64 : index
    %get3A_126 = tpu.vector_load %arg8[%get3A_124, %get3A_125] {strides = array<i32>} : memref<8x128xf32, #tpu.memory_space<vmem>>, vector<16xf32>,
    %max3A_127 = arith.maximumf %max3A_117, %get3A_126 : vector<16xf32>
    %get3A_128 = arith.constant 1 : i32
    %get3A_129 = arith.index_cast %get3A_128 : i32 to index
    %get3A_130 = arith.constant 80 : index
    %get3A_131 = tpu.vector_load %arg7[%get3A_129, %get3A_130] {strides = array<i32>} : memref<8x128xf32, #tpu.memory_space<vmem>>, vector<16xf32>,
    %min3A_132 = arith.minimumf %min3A_122, %get3A_131 : vector<16xf32>
    %get3A_133 = arith.constant 1 : i32
    %get3A_134 = arith.index_cast %get3A_133 : i32 to index
    %get3A_135 = arith.constant 80 : index
    %get3A_136 = tpu.vector_load %arg8[%get3A_134, %get3A_135] {strides = array<i32>} : memref<8x128xf32, #tpu.memory_space<vmem>>, vector<16xf32>,
    %max3A_137 = arith.maximumf %max3A_127, %get3A_136 : vector<16xf32>
    %get3A_138 = arith.constant 1 : i32
    %get3A_139 = arith.index_cast %get3A_138 : i32 to index
    %get3A_140 = arith.constant 96 : index
    %get3A_141 = tpu.vector_load %arg7[%get3A_139, %get3A_140] {strides = array<i32>} : memref<8x128xf32, #tpu.memory_space<vmem>>, vector<16xf32>,
    %min3A_142 = arith.minimumf %min3A_132, %get3A_141 : vector<16xf32>
    %get3A_143 = arith.constant 1 : i32
    %get3A_144 = arith.index_cast %get3A_143 : i32 to index
    %get3A_145 = arith.constant 96 : index
    %get3A_146 = tpu.vector_load %arg8[%get3A_144, %get3A_145] {strides = array<i32>} : memref<8x128xf32, #tpu.memory_space<vmem>>, vector<16xf32>,
    %max3A_147 = arith.maximumf %max3A_137, %get3A_146 : vector<16xf32>
    %get3A_148 = arith.constant 1 : i32
    %get3A_149 = arith.index_cast %get3A_148 : i32 to index
    %get3A_150 = arith.constant 112 : index
    %get3A_151 = tpu.vector_load %arg7[%get3A_149, %get3A_150] {strides = array<i32>} : memref<8x128xf32, #tpu.memory_space<vmem>>, vector<16xf32>,
    %min3A_152 = arith.minimumf %min3A_142, %get3A_151 : vector<16xf32>
    %get3A_153 = arith.constant 1 : i32
    %get3A_154 = arith.index_cast %get3A_153 : i32 to index
    %get3A_155 = arith.constant 112 : index
    %get3A_156 = tpu.vector_load %arg8[%get3A_154, %get3A_155] {strides = array<i32>} : memref<8x128xf32, #tpu.memory_space<vmem>>, vector<16xf32>,
    %max3A_157 = arith.maximumf %max3A_147, %get3A_156 : vector<16xf32>
    %get3A_158 = arith.constant 2 : i32
    %get3A_159 = arith.index_cast %get3A_158 : i32 to index
    %get3A_160 = arith.constant 0 : index
    %get3A_161 = tpu.vector_load %arg7[%get3A_159, %get3A_160] {strides = array<i32>} : memref<8x128xf32, #tpu.memory_space<vmem>>, vector<16xf32>,
    %min3A_162 = arith.minimumf %min3A_152, %get3A_161 : vector<16xf32>
    %get3A_163 = arith.constant 2 : i32
    %get3A_164 = arith.index_cast %get3A_163 : i32 to index
    %get3A_165 = arith.constant 0 : index
    %get3A_166 = tpu.vector_load %arg8[%get3A_164, %get3A_165] {strides = array<i32>} : memref<8x128xf32, #tpu.memory_space<vmem>>, vector<16xf32>,
    %max3A_167 = arith.maximumf %max3A_157, %get3A_166 : vector<16xf32>
    %get3A_168 = arith.constant 2 : i32
    %get3A_169 = arith.index_cast %get3A_168 : i32 to index
    %get3A_170 = arith.constant 16 : index
    %get3A_171 = tpu.vector_load %arg7[%get3A_169, %get3A_170] {strides = array<i32>} : memref<8x128xf32, #tpu.memory_space<vmem>>, vector<16xf32>,
    %min3A_172 = arith.minimumf %min3A_162, %get3A_171 : vector<16xf32>
    %get3A_173 = arith.constant 2 : i32
    %get3A_174 = arith.index_cast %get3A_173 : i32 to index
    %get3A_175 = arith.constant 16 : index
    %get3A_176 = tpu.vector_load %arg8[%get3A_174, %get3A_175] {strides = array<i32>} : memref<8x128xf32, #tpu.memory_space<vmem>>, vector<16xf32>,
    %max3A_177 = arith.maximumf %max3A_167, %get3A_176 : vector<16xf32>
    %get3A_178 = arith.constant 2 : i32
    %get3A_179 = arith.index_cast %get3A_178 : i32 to index
    %get3A_180 = arith.constant 32 : index
    %get3A_181 = tpu.vector_load %arg7[%get3A_179, %get3A_180] {strides = array<i32>} : memref<8x128xf32, #tpu.memory_space<vmem>>, vector<16xf32>,
    %min3A_182 = arith.minimumf %min3A_172, %get3A_181 : vector<16xf32>
    %get3A_183 = arith.constant 2 : i32
    %get3A_184 = arith.index_cast %get3A_183 : i32 to index
    %get3A_185 = arith.constant 32 : index
    %get3A_186 = tpu.vector_load %arg8[%get3A_184, %get3A_185] {strides = array<i32>} : memref<8x128xf32, #tpu.memory_space<vmem>>, vector<16xf32>,
    %max3A_187 = arith.maximumf %max3A_177, %get3A_186 : vector<16xf32>
    %get3A_188 = arith.constant 2 : i32
    %get3A_189 = arith.index_cast %get3A_188 : i32 to index
    %get3A_190 = arith.constant 48 : index
    %get3A_191 = tpu.vector_load %arg7[%get3A_189, %get3A_190] {strides = array<i32>} : memref<8x128xf32, #tpu.memory_space<vmem>>, vector<16xf32>,
    %min3A_192 = arith.minimumf %min3A_182, %get3A_191 : vector<16xf32>
    %get3A_193 = arith.constant 2 : i32
    %get3A_194 = arith.index_cast %get3A_193 : i32 to index
    %get3A_195 = arith.constant 48 : index
    %get3A_196 = tpu.vector_load %arg8[%get3A_194, %get3A_195] {strides = array<i32>} : memref<8x128xf32, #tpu.memory_space<vmem>>, vector<16xf32>,
    %max3A_197 = arith.maximumf %max3A_187, %get3A_196 : vector<16xf32>
    %get3A_198 = arith.constant 2 : i32
    %get3A_199 = arith.index_cast %get3A_198 : i32 to index
    %get3A_200 = arith.constant 64 : index
    %get3A_201 = tpu.vector_load %arg7[%get3A_199, %get3A_200] {strides = array<i32>} : memref<8x128xf32, #tpu.memory_space<vmem>>, vector<16xf32>,
    %min3A_202 = arith.minimumf %min3A_192, %get3A_201 : vector<16xf32>
    %get3A_203 = arith.constant 2 : i32
    %get3A_204 = arith.index_cast %get3A_203 : i32 to index
    %get3A_205 = arith.constant 64 : index
    %get3A_206 = tpu.vector_load %arg8[%get3A_204, %get3A_205] {strides = array<i32>} : memref<8x128xf32, #tpu.memory_space<vmem>>, vector<16xf32>,
    %max3A_207 = arith.maximumf %max3A_197, %get3A_206 : vector<16xf32>
    %get3A_208 = arith.constant 2 : i32
    %get3A_209 = arith.index_cast %get3A_208 : i32 to index
    %get3A_210 = arith.constant 80 : index
    %get3A_211 = tpu.vector_load %arg7[%get3A_209, %get3A_210] {strides = array<i32>} : memref<8x128xf32, #tpu.memory_space<vmem>>, vector<16xf32>,
    %min3A_212 = arith.minimumf %min3A_202, %get3A_211 : vector<16xf32>
    %get3A_213 = arith.constant 2 : i32
    %get3A_214 = arith.index_cast %get3A_213 : i32 to index
    %get3A_215 = arith.constant 80 : index
    %get3A_216 = tpu.vector_load %arg8[%get3A_214, %get3A_215] {strides = array<i32>} : memref<8x128xf32, #tpu.memory_space<vmem>>, vector<16xf32>,
    %max3A_217 = arith.maximumf %max3A_207, %get3A_216 : vector<16xf32>
    %get3A_218 = arith.constant 2 : i32
    %get3A_219 = arith.index_cast %get3A_218 : i32 to index
    %get3A_220 = arith.constant 96 : index
    %get3A_221 = tpu.vector_load %arg7[%get3A_219, %get3A_220] {strides = array<i32>} : memref<8x128xf32, #tpu.memory_space<vmem>>, vector<16xf32>,
    %min3A_222 = arith.minimumf %min3A_212, %get3A_221 : vector<16xf32>
    %get3A_223 = arith.constant 2 : i32
    %get3A_224 = arith.index_cast %get3A_223 : i32 to index
    %get3A_225 = arith.constant 96 : index
    %get3A_226 = tpu.vector_load %arg8[%get3A_224, %get3A_225] {strides = array<i32>} : memref<8x128xf32, #tpu.memory_space<vmem>>, vector<16xf32>,
    %max3A_227 = arith.maximumf %max3A_217, %get3A_226 : vector<16xf32>
    %get3A_228 = arith.constant 2 : i32
    %get3A_229 = arith.index_cast %get3A_228 : i32 to index
    %get3A_230 = arith.constant 112 : index
    %get3A_231 = tpu.vector_load %arg7[%get3A_229, %get3A_230] {strides = array<i32>} : memref<8x128xf32, #tpu.memory_space<vmem>>, vector<16xf32>,
    %min3A_232 = arith.minimumf %min3A_222, %get3A_231 : vector<16xf32>
    %get3A_233 = arith.constant 2 : i32
    %get3A_234 = arith.index_cast %get3A_233 : i32 to index
    %get3A_235 = arith.constant 112 : index
    %get3A_236 = tpu.vector_load %arg8[%get3A_234, %get3A_235] {strides = array<i32>} : memref<8x128xf32, #tpu.memory_space<vmem>>, vector<16xf32>,
    %max3A_237 = arith.maximumf %max3A_227, %get3A_236 : vector<16xf32>
    %get3A_238 = arith.constant 3 : i32
    %get3A_239 = arith.index_cast %get3A_238 : i32 to index
    %get3A_240 = arith.constant 0 : index
    %get3A_241 = tpu.vector_load %arg7[%get3A_239, %get3A_240] {strides = array<i32>} : memref<8x128xf32, #tpu.memory_space<vmem>>, vector<16xf32>,
    %min3A_242 = arith.minimumf %min3A_232, %get3A_241 : vector<16xf32>
    %get3A_243 = arith.constant 3 : i32
    %get3A_244 = arith.index_cast %get3A_243 : i32 to index
    %get3A_245 = arith.constant 0 : index
    %get3A_246 = tpu.vector_load %arg8[%get3A_244, %get3A_245] {strides = array<i32>} : memref<8x128xf32, #tpu.memory_space<vmem>>, vector<16xf32>,
    %max3A_247 = arith.maximumf %max3A_237, %get3A_246 : vector<16xf32>
    %get3A_248 = arith.constant 3 : i32
    %get3A_249 = arith.index_cast %get3A_248 : i32 to index
    %get3A_250 = arith.constant 16 : index
    %get3A_251 = tpu.vector_load %arg7[%get3A_249, %get3A_250] {strides = array<i32>} : memref<8x128xf32, #tpu.memory_space<vmem>>, vector<16xf32>,
    %min3A_252 = arith.minimumf %min3A_242, %get3A_251 : vector<16xf32>
    %get3A_253 = arith.constant 3 : i32
    %get3A_254 = arith.index_cast %get3A_253 : i32 to index
    %get3A_255 = arith.constant 16 : index
    %get3A_256 = tpu.vector_load %arg8[%get3A_254, %get3A_255] {strides = array<i32>} : memref<8x128xf32, #tpu.memory_space<vmem>>, vector<16xf32>,
    %max3A_257 = arith.maximumf %max3A_247, %get3A_256 : vector<16xf32>
    %get3A_258 = arith.constant 3 : i32
    %get3A_259 = arith.index_cast %get3A_258 : i32 to index
    %get3A_260 = arith.constant 32 : index
    %get3A_261 = tpu.vector_load %arg7[%get3A_259, %get3A_260] {strides = array<i32>} : memref<8x128xf32, #tpu.memory_space<vmem>>, vector<16xf32>,
    %min3A_262 = arith.minimumf %min3A_252, %get3A_261 : vector<16xf32>
    %get3A_263 = arith.constant 3 : i32
    %get3A_264 = arith.index_cast %get3A_263 : i32 to index
    %get3A_265 = arith.constant 32 : index
    %get3A_266 = tpu.vector_load %arg8[%get3A_264, %get3A_265] {strides = array<i32>} : memref<8x128xf32, #tpu.memory_space<vmem>>, vector<16xf32>,
    %max3A_267 = arith.maximumf %max3A_257, %get3A_266 : vector<16xf32>
    %get3A_268 = arith.constant 3 : i32
    %get3A_269 = arith.index_cast %get3A_268 : i32 to index
    %get3A_270 = arith.constant 48 : index
    %get3A_271 = tpu.vector_load %arg7[%get3A_269, %get3A_270] {strides = array<i32>} : memref<8x128xf32, #tpu.memory_space<vmem>>, vector<16xf32>,
    %min3A_272 = arith.minimumf %min3A_262, %get3A_271 : vector<16xf32>
    %get3A_273 = arith.constant 3 : i32
    %get3A_274 = arith.index_cast %get3A_273 : i32 to index
    %get3A_275 = arith.constant 48 : index
    %get3A_276 = tpu.vector_load %arg8[%get3A_274, %get3A_275] {strides = array<i32>} : memref<8x128xf32, #tpu.memory_space<vmem>>, vector<16xf32>,
    %max3A_277 = arith.maximumf %max3A_267, %get3A_276 : vector<16xf32>
    %get3A_278 = arith.constant 3 : i32
    %get3A_279 = arith.index_cast %get3A_278 : i32 to index
    %get3A_280 = arith.constant 64 : index
    %get3A_281 = tpu.vector_load %arg7[%get3A_279, %get3A_280] {strides = array<i32>} : memref<8x128xf32, #tpu.memory_space<vmem>>, vector<16xf32>,
    %min3A_282 = arith.minimumf %min3A_272, %get3A_281 : vector<16xf32>
    %get3A_283 = arith.constant 3 : i32
    %get3A_284 = arith.index_cast %get3A_283 : i32 to index
    %get3A_285 = arith.constant 64 : index
    %get3A_286 = tpu.vector_load %arg8[%get3A_284, %get3A_285] {strides = array<i32>} : memref<8x128xf32, #tpu.memory_space<vmem>>, vector<16xf32>,
    %max3A_287 = arith.maximumf %max3A_277, %get3A_286 : vector<16xf32>
    %get3A_288 = arith.constant 3 : i32
    %get3A_289 = arith.index_cast %get3A_288 : i32 to index
    %get3A_290 = arith.constant 80 : index
    %get3A_291 = tpu.vector_load %arg7[%get3A_289, %get3A_290] {strides = array<i32>} : memref<8x128xf32, #tpu.memory_space<vmem>>, vector<16xf32>,
    %min3A_292 = arith.minimumf %min3A_282, %get3A_291 : vector<16xf32>
    %get3A_293 = arith.constant 3 : i32
    %get3A_294 = arith.index_cast %get3A_293 : i32 to index
    %get3A_295 = arith.constant 80 : index
    %get3A_296 = tpu.vector_load %arg8[%get3A_294, %get3A_295] {strides = array<i32>} : memref<8x128xf32, #tpu.memory_space<vmem>>, vector<16xf32>,
    %max3A_297 = arith.maximumf %max3A_287, %get3A_296 : vector<16xf32>
    %get3A_298 = arith.constant 3 : i32
    %get3A_299 = arith.index_cast %get3A_298 : i32 to index
    %get3A_300 = arith.constant 96 : index
    %get3A_301 = tpu.vector_load %arg7[%get3A_299, %get3A_300] {strides = array<i32>} : memref<8x128xf32, #tpu.memory_space<vmem>>, vector<16xf32>,
    %min3A_302 = arith.minimumf %min3A_292, %get3A_301 : vector<16xf32>
    %get3A_303 = arith.constant 3 : i32
    %get3A_304 = arith.index_cast %get3A_303 : i32 to index
    %get3A_305 = arith.constant 96 : index
    %get3A_306 = tpu.vector_load %arg8[%get3A_304, %get3A_305] {strides = array<i32>} : memref<8x128xf32, #tpu.memory_space<vmem>>, vector<16xf32>,
    %max3A_307 = arith.maximumf %max3A_297, %get3A_306 : vector<16xf32>
    %get3A_308 = arith.constant 3 : i32
    %get3A_309 = arith.index_cast %get3A_308 : i32 to index
    %get3A_310 = arith.constant 112 : index
    %get3A_311 = tpu.vector_load %arg7[%get3A_309, %get3A_310] {strides = array<i32>} : memref<8x128xf32, #tpu.memory_space<vmem>>, vector<16xf32>,
    %min3A_312 = arith.minimumf %min3A_302, %get3A_311 : vector<16xf32>
    %get3A_313 = arith.constant 3 : i32
    %get3A_314 = arith.index_cast %get3A_313 : i32 to index
    %get3A_315 = arith.constant 112 : index
    %get3A_316 = tpu.vector_load %arg8[%get3A_314, %get3A_315] {strides = array<i32>} : memref<8x128xf32, #tpu.memory_space<vmem>>, vector<16xf32>,
    %max3A_317 = arith.maximumf %max3A_307, %get3A_316 : vector<16xf32>
    %get3A_318 = arith.constant 4 : i32
    %get3A_319 = arith.index_cast %get3A_318 : i32 to index
    %get3A_320 = arith.constant 0 : index
    %get3A_321 = tpu.vector_load %arg7[%get3A_319, %get3A_320] {strides = array<i32>} : memref<8x128xf32, #tpu.memory_space<vmem>>, vector<16xf32>,
    %min3A_322 = arith.minimumf %min3A_312, %get3A_321 : vector<16xf32>
    %get3A_323 = arith.constant 4 : i32
    %get3A_324 = arith.index_cast %get3A_323 : i32 to index
    %get3A_325 = arith.constant 0 : index
    %get3A_326 = tpu.vector_load %arg8[%get3A_324, %get3A_325] {strides = array<i32>} : memref<8x128xf32, #tpu.memory_space<vmem>>, vector<16xf32>,
    %max3A_327 = arith.maximumf %max3A_317, %get3A_326 : vector<16xf32>
    %get3A_328 = arith.constant 4 : i32
    %get3A_329 = arith.index_cast %get3A_328 : i32 to index
    %get3A_330 = arith.constant 16 : index
    %get3A_331 = tpu.vector_load %arg7[%get3A_329, %get3A_330] {strides = array<i32>} : memref<8x128xf32, #tpu.memory_space<vmem>>, vector<16xf32>,
    %min3A_332 = arith.minimumf %min3A_322, %get3A_331 : vector<16xf32>
    %get3A_333 = arith.constant 4 : i32
    %get3A_334 = arith.index_cast %get3A_333 : i32 to index
    %get3A_335 = arith.constant 16 : index
    %get3A_336 = tpu.vector_load %arg8[%get3A_334, %get3A_335] {strides = array<i32>} : memref<8x128xf32, #tpu.memory_space<vmem>>, vector<16xf32>,
    %max3A_337 = arith.maximumf %max3A_327, %get3A_336 : vector<16xf32>
    %get3A_338 = arith.constant 4 : i32
    %get3A_339 = arith.index_cast %get3A_338 : i32 to index
    %get3A_340 = arith.constant 32 : index
    %get3A_341 = tpu.vector_load %arg7[%get3A_339, %get3A_340] {strides = array<i32>} : memref<8x128xf32, #tpu.memory_space<vmem>>, vector<16xf32>,
    %min3A_342 = arith.minimumf %min3A_332, %get3A_341 : vector<16xf32>
    %get3A_343 = arith.constant 4 : i32
    %get3A_344 = arith.index_cast %get3A_343 : i32 to index
    %get3A_345 = arith.constant 32 : index
    %get3A_346 = tpu.vector_load %arg8[%get3A_344, %get3A_345] {strides = array<i32>} : memref<8x128xf32, #tpu.memory_space<vmem>>, vector<16xf32>,
    %max3A_347 = arith.maximumf %max3A_337, %get3A_346 : vector<16xf32>
    %get3A_348 = arith.constant 4 : i32
    %get3A_349 = arith.index_cast %get3A_348 : i32 to index
    %get3A_350 = arith.constant 48 : index
    %get3A_351 = tpu.vector_load %arg7[%get3A_349, %get3A_350] {strides = array<i32>} : memref<8x128xf32, #tpu.memory_space<vmem>>, vector<16xf32>,
    %min3A_352 = arith.minimumf %min3A_342, %get3A_351 : vector<16xf32>
    %get3A_353 = arith.constant 4 : i32
    %get3A_354 = arith.index_cast %get3A_353 : i32 to index
    %get3A_355 = arith.constant 48 : index
    %get3A_356 = tpu.vector_load %arg8[%get3A_354, %get3A_355] {strides = array<i32>} : memref<8x128xf32, #tpu.memory_space<vmem>>, vector<16xf32>,
    %max3A_357 = arith.maximumf %max3A_347, %get3A_356 : vector<16xf32>
    %get3A_358 = arith.constant 4 : i32
    %get3A_359 = arith.index_cast %get3A_358 : i32 to index
    %get3A_360 = arith.constant 64 : index
    %get3A_361 = tpu.vector_load %arg7[%get3A_359, %get3A_360] {strides = array<i32>} : memref<8x128xf32, #tpu.memory_space<vmem>>, vector<16xf32>,
    %min3A_362 = arith.minimumf %min3A_352, %get3A_361 : vector<16xf32>
    %get3A_363 = arith.constant 4 : i32
    %get3A_364 = arith.index_cast %get3A_363 : i32 to index
    %get3A_365 = arith.constant 64 : index
    %get3A_366 = tpu.vector_load %arg8[%get3A_364, %get3A_365] {strides = array<i32>} : memref<8x128xf32, #tpu.memory_space<vmem>>, vector<16xf32>,
    %max3A_367 = arith.maximumf %max3A_357, %get3A_366 : vector<16xf32>
    %get3A_368 = arith.constant 4 : i32
    %get3A_369 = arith.index_cast %get3A_368 : i32 to index
    %get3A_370 = arith.constant 80 : index
    %get3A_371 = tpu.vector_load %arg7[%get3A_369, %get3A_370] {strides = array<i32>} : memref<8x128xf32, #tpu.memory_space<vmem>>, vector<16xf32>,
    %min3A_372 = arith.minimumf %min3A_362, %get3A_371 : vector<16xf32>
    %get3A_373 = arith.constant 4 : i32
    %get3A_374 = arith.index_cast %get3A_373 : i32 to index
    %get3A_375 = arith.constant 80 : index
    %get3A_376 = tpu.vector_load %arg8[%get3A_374, %get3A_375] {strides = array<i32>} : memref<8x128xf32, #tpu.memory_space<vmem>>, vector<16xf32>,
    %max3A_377 = arith.maximumf %max3A_367, %get3A_376 : vector<16xf32>
    %get3A_378 = arith.constant 4 : i32
    %get3A_379 = arith.index_cast %get3A_378 : i32 to index
    %get3A_380 = arith.constant 96 : index
    %get3A_381 = tpu.vector_load %arg7[%get3A_379, %get3A_380] {strides = array<i32>} : memref<8x128xf32, #tpu.memory_space<vmem>>, vector<16xf32>,
    %min3A_382 = arith.minimumf %min3A_372, %get3A_381 : vector<16xf32>
    %get3A_383 = arith.constant 4 : i32
    %get3A_384 = arith.index_cast %get3A_383 : i32 to index
    %get3A_385 = arith.constant 96 : index
    %get3A_386 = tpu.vector_load %arg8[%get3A_384, %get3A_385] {strides = array<i32>} : memref<8x128xf32, #tpu.memory_space<vmem>>, vector<16xf32>,
    %max3A_387 = arith.maximumf %max3A_377, %get3A_386 : vector<16xf32>
    %get3A_388 = arith.constant 4 : i32
    %get3A_389 = arith.index_cast %get3A_388 : i32 to index
    %get3A_390 = arith.constant 112 : index
    %get3A_391 = tpu.vector_load %arg7[%get3A_389, %get3A_390] {strides = array<i32>} : memref<8x128xf32, #tpu.memory_space<vmem>>, vector<16xf32>,
    %min3A_392 = arith.minimumf %min3A_382, %get3A_391 : vector<16xf32>
    %get3A_393 = arith.constant 4 : i32
    %get3A_394 = arith.index_cast %get3A_393 : i32 to index
    %get3A_395 = arith.constant 112 : index
    %get3A_396 = tpu.vector_load %arg8[%get3A_394, %get3A_395] {strides = array<i32>} : memref<8x128xf32, #tpu.memory_space<vmem>>, vector<16xf32>,
    %max3A_397 = arith.maximumf %max3A_387, %get3A_396 : vector<16xf32>
    %get3A_398 = arith.constant 5 : i32
    %get3A_399 = arith.index_cast %get3A_398 : i32 to index
    %get3A_400 = arith.constant 0 : index
    %get3A_401 = tpu.vector_load %arg7[%get3A_399, %get3A_400] {strides = array<i32>} : memref<8x128xf32, #tpu.memory_space<vmem>>, vector<16xf32>,
    %min3A_402 = arith.minimumf %min3A_392, %get3A_401 : vector<16xf32>
    %get3A_403 = arith.constant 5 : i32
    %get3A_404 = arith.index_cast %get3A_403 : i32 to index
    %get3A_405 = arith.constant 0 : index
    %get3A_406 = tpu.vector_load %arg8[%get3A_404, %get3A_405] {strides = array<i32>} : memref<8x128xf32, #tpu.memory_space<vmem>>, vector<16xf32>,
    %max3A_407 = arith.maximumf %max3A_397, %get3A_406 : vector<16xf32>
    %get3A_408 = arith.constant 5 : i32
    %get3A_409 = arith.index_cast %get3A_408 : i32 to index
    %get3A_410 = arith.constant 16 : index
    %get3A_411 = tpu.vector_load %arg7[%get3A_409, %get3A_410] {strides = array<i32>} : memref<8x128xf32, #tpu.memory_space<vmem>>, vector<16xf32>,
    %min3A_412 = arith.minimumf %min3A_402, %get3A_411 : vector<16xf32>
    %get3A_413 = arith.constant 5 : i32
    %get3A_414 = arith.index_cast %get3A_413 : i32 to index
    %get3A_415 = arith.constant 16 : index
    %get3A_416 = tpu.vector_load %arg8[%get3A_414, %get3A_415] {strides = array<i32>} : memref<8x128xf32, #tpu.memory_space<vmem>>, vector<16xf32>,
    %max3A_417 = arith.maximumf %max3A_407, %get3A_416 : vector<16xf32>
    %get3A_418 = arith.constant 5 : i32
    %get3A_419 = arith.index_cast %get3A_418 : i32 to index
    %get3A_420 = arith.constant 32 : index
    %get3A_421 = tpu.vector_load %arg7[%get3A_419, %get3A_420] {strides = array<i32>} : memref<8x128xf32, #tpu.memory_space<vmem>>, vector<16xf32>,
    %min3A_422 = arith.minimumf %min3A_412, %get3A_421 : vector<16xf32>
    %get3A_423 = arith.constant 5 : i32
    %get3A_424 = arith.index_cast %get3A_423 : i32 to index
    %get3A_425 = arith.constant 32 : index
    %get3A_426 = tpu.vector_load %arg8[%get3A_424, %get3A_425] {strides = array<i32>} : memref<8x128xf32, #tpu.memory_space<vmem>>, vector<16xf32>,
    %max3A_427 = arith.maximumf %max3A_417, %get3A_426 : vector<16xf32>
    %get3A_428 = arith.constant 5 : i32
    %get3A_429 = arith.index_cast %get3A_428 : i32 to index
    %get3A_430 = arith.constant 48 : index
    %get3A_431 = tpu.vector_load %arg7[%get3A_429, %get3A_430] {strides = array<i32>} : memref<8x128xf32, #tpu.memory_space<vmem>>, vector<16xf32>,
    %min3A_432 = arith.minimumf %min3A_422, %get3A_431 : vector<16xf32>
    %get3A_433 = arith.constant 5 : i32
    %get3A_434 = arith.index_cast %get3A_433 : i32 to index
    %get3A_435 = arith.constant 48 : index
    %get3A_436 = tpu.vector_load %arg8[%get3A_434, %get3A_435] {strides = array<i32>} : memref<8x128xf32, #tpu.memory_space<vmem>>, vector<16xf32>,
    %max3A_437 = arith.maximumf %max3A_427, %get3A_436 : vector<16xf32>
    %get3A_438 = arith.constant 5 : i32
    %get3A_439 = arith.index_cast %get3A_438 : i32 to index
    %get3A_440 = arith.constant 64 : index
    %get3A_441 = tpu.vector_load %arg7[%get3A_439, %get3A_440] {strides = array<i32>} : memref<8x128xf32, #tpu.memory_space<vmem>>, vector<16xf32>,
    %min3A_442 = arith.minimumf %min3A_432, %get3A_441 : vector<16xf32>
    %get3A_443 = arith.constant 5 : i32
    %get3A_444 = arith.index_cast %get3A_443 : i32 to index
    %get3A_445 = arith.constant 64 : index
    %get3A_446 = tpu.vector_load %arg8[%get3A_444, %get3A_445] {strides = array<i32>} : memref<8x128xf32, #tpu.memory_space<vmem>>, vector<16xf32>,
    %max3A_447 = arith.maximumf %max3A_437, %get3A_446 : vector<16xf32>
    %get3A_448 = arith.constant 5 : i32
    %get3A_449 = arith.index_cast %get3A_448 : i32 to index
    %get3A_450 = arith.constant 80 : index
    %get3A_451 = tpu.vector_load %arg7[%get3A_449, %get3A_450] {strides = array<i32>} : memref<8x128xf32, #tpu.memory_space<vmem>>, vector<16xf32>,
    %min3A_452 = arith.minimumf %min3A_442, %get3A_451 : vector<16xf32>
    %get3A_453 = arith.constant 5 : i32
    %get3A_454 = arith.index_cast %get3A_453 : i32 to index
    %get3A_455 = arith.constant 80 : index
    %get3A_456 = tpu.vector_load %arg8[%get3A_454, %get3A_455] {strides = array<i32>} : memref<8x128xf32, #tpu.memory_space<vmem>>, vector<16xf32>,
    %max3A_457 = arith.maximumf %max3A_447, %get3A_456 : vector<16xf32>
    %get3A_458 = arith.constant 5 : i32
    %get3A_459 = arith.index_cast %get3A_458 : i32 to index
    %get3A_460 = arith.constant 96 : index
    %get3A_461 = tpu.vector_load %arg7[%get3A_459, %get3A_460] {strides = array<i32>} : memref<8x128xf32, #tpu.memory_space<vmem>>, vector<16xf32>,
    %min3A_462 = arith.minimumf %min3A_452, %get3A_461 : vector<16xf32>
    %get3A_463 = arith.constant 5 : i32
    %get3A_464 = arith.index_cast %get3A_463 : i32 to index
    %get3A_465 = arith.constant 96 : index
    %get3A_466 = tpu.vector_load %arg8[%get3A_464, %get3A_465] {strides = array<i32>} : memref<8x128xf32, #tpu.memory_space<vmem>>, vector<16xf32>,
    %max3A_467 = arith.maximumf %max3A_457, %get3A_466 : vector<16xf32>
    %get3A_468 = arith.constant 5 : i32
    %get3A_469 = arith.index_cast %get3A_468 : i32 to index
    %get3A_470 = arith.constant 112 : index
    %get3A_471 = tpu.vector_load %arg7[%get3A_469, %get3A_470] {strides = array<i32>} : memref<8x128xf32, #tpu.memory_space<vmem>>, vector<16xf32>,
    %min3A_472 = arith.minimumf %min3A_462, %get3A_471 : vector<16xf32>
    %get3A_473 = arith.constant 5 : i32
    %get3A_474 = arith.index_cast %get3A_473 : i32 to index
    %get3A_475 = arith.constant 112 : index
    %get3A_476 = tpu.vector_load %arg8[%get3A_474, %get3A_475] {strides = array<i32>} : memref<8x128xf32, #tpu.memory_space<vmem>>, vector<16xf32>,
    %max3A_477 = arith.maximumf %max3A_467, %get3A_476 : vector<16xf32>
    %get3A_478 = arith.constant 6 : i32
    %get3A_479 = arith.index_cast %get3A_478 : i32 to index
    %get3A_480 = arith.constant 0 : index
    %get3A_481 = tpu.vector_load %arg7[%get3A_479, %get3A_480] {strides = array<i32>} : memref<8x128xf32, #tpu.memory_space<vmem>>, vector<16xf32>,
    %min3A_482 = arith.minimumf %min3A_472, %get3A_481 : vector<16xf32>
    %get3A_483 = arith.constant 6 : i32
    %get3A_484 = arith.index_cast %get3A_483 : i32 to index
    %get3A_485 = arith.constant 0 : index
    %get3A_486 = tpu.vector_load %arg8[%get3A_484, %get3A_485] {strides = array<i32>} : memref<8x128xf32, #tpu.memory_space<vmem>>, vector<16xf32>,
    %max3A_487 = arith.maximumf %max3A_477, %get3A_486 : vector<16xf32>
    %get3A_488 = arith.constant 6 : i32
    %get3A_489 = arith.index_cast %get3A_488 : i32 to index
    %get3A_490 = arith.constant 16 : index
    %get3A_491 = tpu.vector_load %arg7[%get3A_489, %get3A_490] {strides = array<i32>} : memref<8x128xf32, #tpu.memory_space<vmem>>, vector<16xf32>,
    %min3A_492 = arith.minimumf %min3A_482, %get3A_491 : vector<16xf32>
    %get3A_493 = arith.constant 6 : i32
    %get3A_494 = arith.index_cast %get3A_493 : i32 to index
    %get3A_495 = arith.constant 16 : index
    %get3A_496 = tpu.vector_load %arg8[%get3A_494, %get3A_495] {strides = array<i32>} : memref<8x128xf32, #tpu.memory_space<vmem>>, vector<16xf32>,
    %max3A_497 = arith.maximumf %max3A_487, %get3A_496 : vector<16xf32>
    %get3A_498 = arith.constant 6 : i32
    %get3A_499 = arith.index_cast %get3A_498 : i32 to index
    %get3A_500 = arith.constant 32 : index
    %get3A_501 = tpu.vector_load %arg7[%get3A_499, %get3A_500] {strides = array<i32>} : memref<8x128xf32, #tpu.memory_space<vmem>>, vector<16xf32>,
    %min3A_502 = arith.minimumf %min3A_492, %get3A_501 : vector<16xf32>
    %get3A_503 = arith.constant 6 : i32
    %get3A_504 = arith.index_cast %get3A_503 : i32 to index
    %get3A_505 = arith.constant 32 : index
    %get3A_506 = tpu.vector_load %arg8[%get3A_504, %get3A_505] {strides = array<i32>} : memref<8x128xf32, #tpu.memory_space<vmem>>, vector<16xf32>,
    %max3A_507 = arith.maximumf %max3A_497, %get3A_506 : vector<16xf32>
    %get3A_508 = arith.constant 6 : i32
    %get3A_509 = arith.index_cast %get3A_508 : i32 to index
    %get3A_510 = arith.constant 48 : index
    %get3A_511 = tpu.vector_load %arg7[%get3A_509, %get3A_510] {strides = array<i32>} : memref<8x128xf32, #tpu.memory_space<vmem>>, vector<16xf32>,
    %min3A_512 = arith.minimumf %min3A_502, %get3A_511 : vector<16xf32>
    %get3A_513 = arith.constant 6 : i32
    %get3A_514 = arith.index_cast %get3A_513 : i32 to index
    %get3A_515 = arith.constant 48 : index
    %get3A_516 = tpu.vector_load %arg8[%get3A_514, %get3A_515] {strides = array<i32>} : memref<8x128xf32, #tpu.memory_space<vmem>>, vector<16xf32>,
    %max3A_517 = arith.maximumf %max3A_507, %get3A_516 : vector<16xf32>
    %get3A_518 = arith.constant 6 : i32
    %get3A_519 = arith.index_cast %get3A_518 : i32 to index
    %get3A_520 = arith.constant 64 : index
    %get3A_521 = tpu.vector_load %arg7[%get3A_519, %get3A_520] {strides = array<i32>} : memref<8x128xf32, #tpu.memory_space<vmem>>, vector<16xf32>,
    %min3A_522 = arith.minimumf %min3A_512, %get3A_521 : vector<16xf32>
    %get3A_523 = arith.constant 6 : i32
    %get3A_524 = arith.index_cast %get3A_523 : i32 to index
    %get3A_525 = arith.constant 64 : index
    %get3A_526 = tpu.vector_load %arg8[%get3A_524, %get3A_525] {strides = array<i32>} : memref<8x128xf32, #tpu.memory_space<vmem>>, vector<16xf32>,
    %max3A_527 = arith.maximumf %max3A_517, %get3A_526 : vector<16xf32>
    %get3A_528 = arith.constant 6 : i32
    %get3A_529 = arith.index_cast %get3A_528 : i32 to index
    %get3A_530 = arith.constant 80 : index
    %get3A_531 = tpu.vector_load %arg7[%get3A_529, %get3A_530] {strides = array<i32>} : memref<8x128xf32, #tpu.memory_space<vmem>>, vector<16xf32>,
    %min3A_532 = arith.minimumf %min3A_522, %get3A_531 : vector<16xf32>
    %get3A_533 = arith.constant 6 : i32
    %get3A_534 = arith.index_cast %get3A_533 : i32 to index
    %get3A_535 = arith.constant 80 : index
    %get3A_536 = tpu.vector_load %arg8[%get3A_534, %get3A_535] {strides = array<i32>} : memref<8x128xf32, #tpu.memory_space<vmem>>, vector<16xf32>,
    %max3A_537 = arith.maximumf %max3A_527, %get3A_536 : vector<16xf32>
    %get3A_538 = arith.constant 6 : i32
    %get3A_539 = arith.index_cast %get3A_538 : i32 to index
    %get3A_540 = arith.constant 96 : index
    %get3A_541 = tpu.vector_load %arg7[%get3A_539, %get3A_540] {strides = array<i32>} : memref<8x128xf32, #tpu.memory_space<vmem>>, vector<16xf32>,
    %min3A_542 = arith.minimumf %min3A_532, %get3A_541 : vector<16xf32>
    %get3A_543 = arith.constant 6 : i32
    %get3A_544 = arith.index_cast %get3A_543 : i32 to index
    %get3A_545 = arith.constant 96 : index
    %get3A_546 = tpu.vector_load %arg8[%get3A_544, %get3A_545] {strides = array<i32>} : memref<8x128xf32, #tpu.memory_space<vmem>>, vector<16xf32>,
    %max3A_547 = arith.maximumf %max3A_537, %get3A_546 : vector<16xf32>
    %get3A_548 = arith.constant 6 : i32
    %get3A_549 = arith.index_cast %get3A_548 : i32 to index
    %get3A_550 = arith.constant 112 : index
    %get3A_551 = tpu.vector_load %arg7[%get3A_549, %get3A_550] {strides = array<i32>} : memref<8x128xf32, #tpu.memory_space<vmem>>, vector<16xf32>,
    %min3A_552 = arith.minimumf %min3A_542, %get3A_551 : vector<16xf32>
    %get3A_553 = arith.constant 6 : i32
    %get3A_554 = arith.index_cast %get3A_553 : i32 to index
    %get3A_555 = arith.constant 112 : index
    %get3A_556 = tpu.vector_load %arg8[%get3A_554, %get3A_555] {strides = array<i32>} : memref<8x128xf32, #tpu.memory_space<vmem>>, vector<16xf32>,
    %max3A_557 = arith.maximumf %max3A_547, %get3A_556 : vector<16xf32>
    %get3A_558 = arith.constant 7 : i32
    %get3A_559 = arith.index_cast %get3A_558 : i32 to index
    %get3A_560 = arith.constant 0 : index
    %get3A_561 = tpu.vector_load %arg7[%get3A_559, %get3A_560] {strides = array<i32>} : memref<8x128xf32, #tpu.memory_space<vmem>>, vector<16xf32>,
    %min3A_562 = arith.minimumf %min3A_552, %get3A_561 : vector<16xf32>
    %get3A_563 = arith.constant 7 : i32
    %get3A_564 = arith.index_cast %get3A_563 : i32 to index
    %get3A_565 = arith.constant 0 : index
    %get3A_566 = tpu.vector_load %arg8[%get3A_564, %get3A_565] {strides = array<i32>} : memref<8x128xf32, #tpu.memory_space<vmem>>, vector<16xf32>,
    %max3A_567 = arith.maximumf %max3A_557, %get3A_566 : vector<16xf32>
    %get3A_568 = arith.constant 7 : i32
    %get3A_569 = arith.index_cast %get3A_568 : i32 to index
    %get3A_570 = arith.constant 16 : index
    %get3A_571 = tpu.vector_load %arg7[%get3A_569, %get3A_570] {strides = array<i32>} : memref<8x128xf32, #tpu.memory_space<vmem>>, vector<16xf32>,
    %min3A_572 = arith.minimumf %min3A_562, %get3A_571 : vector<16xf32>
    %get3A_573 = arith.constant 7 : i32
    %get3A_574 = arith.index_cast %get3A_573 : i32 to index
    %get3A_575 = arith.constant 16 : index
    %get3A_576 = tpu.vector_load %arg8[%get3A_574, %get3A_575] {strides = array<i32>} : memref<8x128xf32, #tpu.memory_space<vmem>>, vector<16xf32>,
    %max3A_577 = arith.maximumf %max3A_567, %get3A_576 : vector<16xf32>
    %get3A_578 = arith.constant 7 : i32
    %get3A_579 = arith.index_cast %get3A_578 : i32 to index
    %get3A_580 = arith.constant 32 : index
    %get3A_581 = tpu.vector_load %arg7[%get3A_579, %get3A_580] {strides = array<i32>} : memref<8x128xf32, #tpu.memory_space<vmem>>, vector<16xf32>,
    %min3A_582 = arith.minimumf %min3A_572, %get3A_581 : vector<16xf32>
    %get3A_583 = arith.constant 7 : i32
    %get3A_584 = arith.index_cast %get3A_583 : i32 to index
    %get3A_585 = arith.constant 32 : index
    %get3A_586 = tpu.vector_load %arg8[%get3A_584, %get3A_585] {strides = array<i32>} : memref<8x128xf32, #tpu.memory_space<vmem>>, vector<16xf32>,
    %max3A_587 = arith.maximumf %max3A_577, %get3A_586 : vector<16xf32>
    %get3A_588 = arith.constant 7 : i32
    %get3A_589 = arith.index_cast %get3A_588 : i32 to index
    %get3A_590 = arith.constant 48 : index
    %get3A_591 = tpu.vector_load %arg7[%get3A_589, %get3A_590] {strides = array<i32>} : memref<8x128xf32, #tpu.memory_space<vmem>>, vector<16xf32>,
    %min3A_592 = arith.minimumf %min3A_582, %get3A_591 : vector<16xf32>
    %get3A_593 = arith.constant 7 : i32
    %get3A_594 = arith.index_cast %get3A_593 : i32 to index
    %get3A_595 = arith.constant 48 : index
    %get3A_596 = tpu.vector_load %arg8[%get3A_594, %get3A_595] {strides = array<i32>} : memref<8x128xf32, #tpu.memory_space<vmem>>, vector<16xf32>,
    %max3A_597 = arith.maximumf %max3A_587, %get3A_596 : vector<16xf32>
    %get3A_598 = arith.constant 7 : i32
    %get3A_599 = arith.index_cast %get3A_598 : i32 to index
    %get3A_600 = arith.constant 64 : index
    %get3A_601 = tpu.vector_load %arg7[%get3A_599, %get3A_600] {strides = array<i32>} : memref<8x128xf32, #tpu.memory_space<vmem>>, vector<16xf32>,
    %min3A_602 = arith.minimumf %min3A_592, %get3A_601 : vector<16xf32>
    %get3A_603 = arith.constant 7 : i32
    %get3A_604 = arith.index_cast %get3A_603 : i32 to index
    %get3A_605 = arith.constant 64 : index
    %get3A_606 = tpu.vector_load %arg8[%get3A_604, %get3A_605] {strides = array<i32>} : memref<8x128xf32, #tpu.memory_space<vmem>>, vector<16xf32>,
    %max3A_607 = arith.maximumf %max3A_597, %get3A_606 : vector<16xf32>
    %get3A_608 = arith.constant 7 : i32
    %get3A_609 = arith.index_cast %get3A_608 : i32 to index
    %get3A_610 = arith.constant 80 : index
    %get3A_611 = tpu.vector_load %arg7[%get3A_609, %get3A_610] {strides = array<i32>} : memref<8x128xf32, #tpu.memory_space<vmem>>, vector<16xf32>,
    %min3A_612 = arith.minimumf %min3A_602, %get3A_611 : vector<16xf32>
    %get3A_613 = arith.constant 7 : i32
    %get3A_614 = arith.index_cast %get3A_613 : i32 to index
    %get3A_615 = arith.constant 80 : index
    %get3A_616 = tpu.vector_load %arg8[%get3A_614, %get3A_615] {strides = array<i32>} : memref<8x128xf32, #tpu.memory_space<vmem>>, vector<16xf32>,
    %max3A_617 = arith.maximumf %max3A_607, %get3A_616 : vector<16xf32>
    %get3A_618 = arith.constant 7 : i32
    %get3A_619 = arith.index_cast %get3A_618 : i32 to index
    %get3A_620 = arith.constant 96 : index
    %get3A_621 = tpu.vector_load %arg7[%get3A_619, %get3A_620] {strides = array<i32>} : memref<8x128xf32, #tpu.memory_space<vmem>>, vector<16xf32>,
    %min3A_622 = arith.minimumf %min3A_612, %get3A_621 : vector<16xf32>
    %get3A_623 = arith.constant 7 : i32
    %get3A_624 = arith.index_cast %get3A_623 : i32 to index
    %get3A_625 = arith.constant 96 : index
    %get3A_626 = tpu.vector_load %arg8[%get3A_624, %get3A_625] {strides = array<i32>} : memref<8x128xf32, #tpu.memory_space<vmem>>, vector<16xf32>,
    %max3A_627 = arith.maximumf %max3A_617, %get3A_626 : vector<16xf32>
    %get3A_628 = arith.constant 7 : i32
    %get3A_629 = arith.index_cast %get3A_628 : i32 to index
    %get3A_630 = arith.constant 112 : index
    %get3A_631 = tpu.vector_load %arg7[%get3A_629, %get3A_630] {strides = array<i32>} : memref<8x128xf32, #tpu.memory_space<vmem>>, vector<16xf32>,
    %min3A_632 = arith.minimumf %min3A_622, %get3A_631 : vector<16xf32>
    %get3A_633 = arith.constant 7 : i32
    %get3A_634 = arith.index_cast %get3A_633 : i32 to index
    %get3A_635 = arith.constant 112 : index
    %get3A_636 = tpu.vector_load %arg8[%get3A_634, %get3A_635] {strides = array<i32>} : memref<8x128xf32, #tpu.memory_space<vmem>>, vector<16xf32>,
    %max3A_637 = arith.maximumf %max3A_627, %get3A_636 : vector<16xf32>
    %iota3A = tpu.iota {dimensions = array<i32: 0>} : vector<16xi32>
    %xor3A = arith.constant 8 : i32
    %xor3A_638 = vector.broadcast %xor3A : i32 to vector<16xi32>
    %xor3A_639 = arith.xori %iota3A, %xor3A_638 : vector<16xi32>
    %xor3A_640 = arith.constant 4 : i32
    %xor3A_641 = vector.broadcast %xor3A_640 : i32 to vector<16xi32>
    %xor3A_642 = arith.xori %iota3A, %xor3A_641 : vector<16xi32>
    %xor3A_643 = arith.constant 2 : i32
    %xor3A_644 = vector.broadcast %xor3A_643 : i32 to vector<16xi32>
    %xor3A_645 = arith.xori %iota3A, %xor3A_644 : vector<16xi32>
    %xor3A_646 = arith.constant 1 : i32
    %xor3A_647 = vector.broadcast %xor3A_646 : i32 to vector<16xi32>
    %xor3A_648 = arith.xori %iota3A, %xor3A_647 : vector<16xi32>
    %broadcast_in_dim3A = vector.shape_cast %xor3A_639 : vector<16xi32> to vector<16x1xi32>
    %gather3A = vector.shape_cast %broadcast_in_dim3A : vector<16x1xi32> to vector<16xi32>
    %gather3A_649 = tpu.dynamic_gather %min3A_632[%gather3A] in [0] : vector<16xf32>, vector<16xi32> -> vector<16xf32>
    %min3A_650 = arith.minimumf %min3A_632, %gather3A_649 : vector<16xf32>
    %broadcast_in_dim3A_651 = vector.shape_cast %xor3A_639 : vector<16xi32> to vector<16x1xi32>
    %gather3A_652 = vector.shape_cast %broadcast_in_dim3A_651 : vector<16x1xi32> to vector<16xi32>
    %gather3A_653 = tpu.dynamic_gather %max3A_637[%gather3A_652] in [0] : vector<16xf32>, vector<16xi32> -> vector<16xf32>
    %max3A_654 = arith.maximumf %max3A_637, %gather3A_653 : vector<16xf32>
    %broadcast_in_dim3A_655 = vector.shape_cast %xor3A_642 : vector<16xi32> to vector<16x1xi32>
    %gather3A_656 = vector.shape_cast %broadcast_in_dim3A_655 : vector<16x1xi32> to vector<16xi32>
    %gather3A_657 = tpu.dynamic_gather %min3A_650[%gather3A_656] in [0] : vector<16xf32>, vector<16xi32> -> vector<16xf32>
    %min3A_658 = arith.minimumf %min3A_650, %gather3A_657 : vector<16xf32>
    %broadcast_in_dim3A_659 = vector.shape_cast %xor3A_642 : vector<16xi32> to vector<16x1xi32>
    %gather3A_660 = vector.shape_cast %broadcast_in_dim3A_659 : vector<16x1xi32> to vector<16xi32>
    %gather3A_661 = tpu.dynamic_gather %max3A_654[%gather3A_660] in [0] : vector<16xf32>, vector<16xi32> -> vector<16xf32>
    %max3A_662 = arith.maximumf %max3A_654, %gather3A_661 : vector<16xf32>
    %broadcast_in_dim3A_663 = vector.shape_cast %xor3A_645 : vector<16xi32> to vector<16x1xi32>
    %gather3A_664 = vector.shape_cast %broadcast_in_dim3A_663 : vector<16x1xi32> to vector<16xi32>
    %gather3A_665 = tpu.dynamic_gather %min3A_658[%gather3A_664] in [0] : vector<16xf32>, vector<16xi32> -> vector<16xf32>
    %min3A_666 = arith.minimumf %min3A_658, %gather3A_665 : vector<16xf32>
    %broadcast_in_dim3A_667 = vector.shape_cast %xor3A_645 : vector<16xi32> to vector<16x1xi32>
    %gather3A_668 = vector.shape_cast %broadcast_in_dim3A_667 : vector<16x1xi32> to vector<16xi32>
    %gather3A_669 = tpu.dynamic_gather %max3A_662[%gather3A_668] in [0] : vector<16xf32>, vector<16xi32> -> vector<16xf32>
    %max3A_670 = arith.maximumf %max3A_662, %gather3A_669 : vector<16xf32>
    %broadcast_in_dim3A_671 = vector.shape_cast %xor3A_648 : vector<16xi32> to vector<16x1xi32>
    %gather3A_672 = vector.shape_cast %broadcast_in_dim3A_671 : vector<16x1xi32> to vector<16xi32>
    %gather3A_673 = tpu.dynamic_gather %min3A_666[%gather3A_672] in [0] : vector<16xf32>, vector<16xi32> -> vector<16xf32>
    %min3A_674 = arith.minimumf %min3A_666, %gather3A_673 : vector<16xf32>
    %broadcast_in_dim3A_675 = vector.shape_cast %xor3A_648 : vector<16xi32> to vector<16x1xi32>
    %gather3A_676 = vector.shape_cast %broadcast_in_dim3A_675 : vector<16x1xi32> to vector<16xi32>
    %gather3A_677 = tpu.dynamic_gather %max3A_670[%gather3A_676] in [0] : vector<16xf32>, vector<16xi32> -> vector<16xf32>
    %max3A_678 = arith.maximumf %max3A_670, %gather3A_677 : vector<16xf32>
    %slice3A = vector.extract_strided_slice %min3A_674 {offsets = [0], sizes = [1], strides = [1]} : vector<16xf32> to vector<1xf32>
    %squeeze3A = vector.extract %slice3A[0] : f32 from vector<1xf32>
    %slice3A_679 = vector.extract_strided_slice %max3A_678 {offsets = [0], sizes = [1], strides = [1]} : vector<16xf32> to vector<1xf32>
    %squeeze3A_680 = vector.extract %slice3A_679[0] : f32 from vector<1xf32>
    %sub3A = arith.subf %squeeze3A_680, %squeeze3A : f32
    %mul3A_681 = arith.constant 5.000000e-01 : f32
    %mul3A_682 = arith.mulf %mul3A_681, %sub3A : f32
    %sub3A_683 = arith.subf %squeeze3A, %mul3A_682 : f32
    %mul3A_684 = arith.constant 5.000000e-01 : f32
    %mul3A_685 = arith.mulf %mul3A_684, %sub3A : f32
    %add3A_686 = arith.addf %squeeze3A_680, %mul3A_685 : f32
    %sub3A_687 = arith.subf %add3A_686, %sub3A_683 : f32
    %mul3A_688 = arith.constant 4.8828125E-4 : f32
    %mul3A_689 = arith.mulf %sub3A_687, %mul3A_688 : f32
    %mul3A_690 = arith.constant 3.125000e-02 : f32
    %mul3A_691 = arith.mulf %mul3A_689, %mul3A_690 : f32
    %add3A_692 = arith.addf %sub3A_683, %mul3A_691 : f32
    %broadcast_in_dim3A_693 = vector.broadcast %add3A_692 : f32 to vector<16xf32>
    %broadcast_in_dim3A_694 = vector.broadcast %mul3A_689 : f32 to vector<16xf32>
    %div3A = arith.constant 1.000000e+00 : f32
    %div3A_695 = vector.broadcast %div3A : f32 to vector<16xf32>
    %div3A_696 = arith.divf %div3A_695, %broadcast_in_dim3A_694 : vector<16xf32>
    %broadcast_in_dim3A_697 = arith.constant 5.242880e+05 : f32
    %broadcast_in_dim3A_698 = vector.broadcast %broadcast_in_dim3A_697 : f32 to vector<16xf32>
    %broadcast_in_dim3A_699 = arith.constant 0.000000e+00 : f32
    %broadcast_in_dim3A_700 = vector.broadcast %broadcast_in_dim3A_699 : f32 to vector<16xf32>
    %scan3A = arith.constant 0 : i32
    %scan3A_701 = arith.constant 0 : i32
    %scan3A_702 = arith.constant 2048 : i32
    %scan3A_703 = arith.addi %scan3A_701, %scan3A_702 : i32
    %scan3A_704 = arith.constant 1 : i32
    %scan3A_705 = scf.for %scan3A_737 = %scan3A_701 to %scan3A_703 step %scan3A_704 iter_args(%scan3A_738 = %scan3A) -> (i32)  : i32 {
      %mul3A_739 = arith.constant 16 : i32
      %mul3A_740 = arith.muli %scan3A_737, %mul3A_739 : i32
      %swap3A = arith.index_cast %mul3A_740 : i32 to index
      %swap3A_741 = tpu.vector_load %arg9[%swap3A] {strides = array<i32>} : memref<32768xf32, #tpu.memory_space<vmem>>, vector<16xf32>,
      tpu.vector_store %arg9[%swap3A], %broadcast_in_dim3A_700 {strides = array<i32>} : memref<32768xf32, #tpu.memory_space<vmem>>, vector<16xf32>,
      %scan3A_742 = arith.constant 0 : i32
      scf.yield %scan3A_742 : i32
    }
    %scan3A_706 = arith.constant 2048 : i32
    %broadcast_in_dim3A_707 = arith.constant 1.000000e+00 : f32
    %broadcast_in_dim3A_708 = vector.broadcast %broadcast_in_dim3A_707 : f32 to vector<16xf32>
    %add3A_709 = arith.constant 0 : i32
    %add3A_710 = arith.addi %mul3A_2, %add3A_709 : i32
    %dma_start3A = arith.constant 0 : i32
    %dma_start3A_711 = arith.constant 0 : i32
    %dma_start3A_712 = arith.constant 0 : i32
    %dma_start3A_713 = tpu.memref_slice %arg6[%dma_start3A, %dma_start3A_711, %dma_start3A_712] : memref<2x8x4096xf32, #tpu.memory_space<vmem>> -> memref<1x8x4096xf32, #tpu.memory_space<vmem>>
    %dma_start3A_714 = tpu.memref_squeeze %dma_start3A_713 : memref<1x8x4096xf32, #tpu.memory_space<vmem>> -> memref<8x4096xf32, #tpu.memory_space<vmem>>
    %dma_start3A_715 = arith.constant 0 : i32
    %dma_start3A_716 = tpu.memref_slice %arg2[%add3A_710, %dma_start3A_715] : memref<8192x4096xf32, #tpu.memory_space<hbm>> -> memref<8x4096xf32, #tpu.memory_space<hbm>>
    %dma_start3A_717 = arith.constant 0 : i32
    %dma_start3A_718 = arith.constant 0 : i32
    %dma_start3A_719 = tpu.memref_slice %arg6[%dma_start3A, %dma_start3A_717, %dma_start3A_718] : memref<2x8x4096xf32, #tpu.memory_space<vmem>> -> memref<1x8x4096xf32, #tpu.memory_space<vmem>>
    %dma_start3A_720 = tpu.memref_squeeze %dma_start3A_719 : memref<1x8x4096xf32, #tpu.memory_space<vmem>> -> memref<8x4096xf32, #tpu.memory_space<vmem>>
    %dma_start3A_721 = arith.constant 0 : i32
    %dma_start3A_722 = tpu.memref_slice %arg2[%add3A_710, %dma_start3A_721] : memref<8192x4096xf32, #tpu.memory_space<hbm>> -> memref<8x4096xf32, #tpu.memory_space<hbm>>
    tpu.enqueue_dma source(%dma_start3A_722 : memref<8x4096xf32, #tpu.memory_space<hbm>>) target(%dma_start3A_720 : memref<8x4096xf32, #tpu.memory_space<vmem>>) target_semaphore(%arg11 : memref<!tpu.dma_semaphore, #tpu.memory_space<semaphore_mem>>)
    %scan3A_723 = arith.constant 0 : i32
    %scan3A_724 = arith.constant 0 : i32
    %scan3A_725 = arith.constant 16 : i32
    %scan3A_726 = arith.addi %scan3A_724, %scan3A_725 : i32
    %scan3A_727 = arith.constant 1 : i32
    %scan3A_728 = scf.for %scan3A_737 = %scan3A_724 to %scan3A_726 step %scan3A_727 iter_args(%scan3A_738 = %scan3A_723) -> (i32)  : i32 {
      %mul3A_739 = arith.constant 2 : i32
      %mul3A_740 = arith.muli %scan3A_737, %mul3A_739 : i32
      %add3A_741 = arith.constant 0 : i32
      %add3A_742 = arith.addi %mul3A_740, %add3A_741 : i32
      %add3A_743 = arith.constant 1 : i32
      %add3A_744 = arith.addi %add3A_742, %add3A_743 : i32
      %lt3A = arith.constant 32 : i32
      %lt3A_745 = arith.cmpi slt, %add3A_744, %lt3A : i32
      %convert_element_type3A = arith.extui %lt3A_745 : i1 to i32
      %cond3A = arith.constant 0 : i32
      %cond3A_746 = arith.cmpi ne, %convert_element_type3A, %cond3A : i32
      scf.if %cond3A_746 {
        %add3A_793 = arith.constant 1 : i32
        %add3A_794 = arith.addi %add3A_742, %add3A_793 : i32
        %mul3A_795 = arith.constant 8 : i32
        %mul3A_796 = arith.muli %add3A_794, %mul3A_795 : i32
        %add3A_797 = arith.addi %mul3A_2, %mul3A_796 : i32
        %dma_start3A_798 = arith.constant 1 : i32
        %dma_start3A_799 = arith.constant 0 : i32
        %dma_start3A_800 = arith.constant 0 : i32
        %dma_start3A_801 = tpu.memref_slice %arg6[%dma_start3A_798, %dma_start3A_799, %dma_start3A_800] : memref<2x8x4096xf32, #tpu.memory_space<vmem>> -> memref<1x8x4096xf32, #tpu.memory_space<vmem>>
        %dma_start3A_802 = tpu.memref_squeeze %dma_start3A_801 : memref<1x8x4096xf32, #tpu.memory_space<vmem>> -> memref<8x4096xf32, #tpu.memory_space<vmem>>
        %dma_start3A_803 = arith.constant 0 : i32
        %dma_start3A_804 = tpu.memref_slice %arg2[%add3A_797, %dma_start3A_803] : memref<8192x4096xf32, #tpu.memory_space<hbm>> -> memref<8x4096xf32, #tpu.memory_space<hbm>>
        %dma_start3A_805 = arith.constant 0 : i32
        %dma_start3A_806 = arith.constant 0 : i32
        %dma_start3A_807 = tpu.memref_slice %arg6[%dma_start3A_798, %dma_start3A_805, %dma_start3A_806] : memref<2x8x4096xf32, #tpu.memory_space<vmem>> -> memref<1x8x4096xf32, #tpu.memory_space<vmem>>
        %dma_start3A_808 = tpu.memref_squeeze %dma_start3A_807 : memref<1x8x4096xf32, #tpu.memory_space<vmem>> -> memref<8x4096xf32, #tpu.memory_space<vmem>>
        %dma_start3A_809 = arith.constant 0 : i32
        %dma_start3A_810 = tpu.memref_slice %arg2[%add3A_797, %dma_start3A_809] : memref<8192x4096xf32, #tpu.memory_space<hbm>> -> memref<8x4096xf32, #tpu.memory_space<hbm>>
        tpu.enqueue_dma source(%dma_start3A_810 : memref<8x4096xf32, #tpu.memory_space<hbm>>) target(%dma_start3A_808 : memref<8x4096xf32, #tpu.memory_space<vmem>>) target_semaphore(%arg12 : memref<!tpu.dma_semaphore, #tpu.memory_space<semaphore_mem>>)
      } else {
      }
      %dma_wait3A = arith.constant 0 : i32
      %dma_wait3A_747 = arith.constant 0 : i32
      %dma_wait3A_748 = arith.constant 0 : i32
      %dma_wait3A_749 = tpu.memref_slice %arg6[%dma_wait3A, %dma_wait3A_747, %dma_wait3A_748] : memref<2x8x4096xf32, #tpu.memory_space<vmem>> -> memref<1x8x4096xf32, #tpu.memory_space<vmem>>
      %dma_wait3A_750 = tpu.memref_squeeze %dma_wait3A_749 : memref<1x8x4096xf32, #tpu.memory_space<vmem>> -> memref<8x4096xf32, #tpu.memory_space<vmem>>
      %dma_wait3A_751 = arith.constant 0 : i32
      %dma_wait3A_752 = arith.constant 0 : i32
      %dma_wait3A_753 = tpu.memref_slice %arg2[%dma_wait3A_751, %dma_wait3A_752] : memref<8192x4096xf32, #tpu.memory_space<hbm>> -> memref<8x4096xf32, #tpu.memory_space<hbm>>
      %dma_wait3A_754 = arith.constant 0 : i32
      %dma_wait3A_755 = arith.constant 0 : i32
      %dma_wait3A_756 = tpu.memref_slice %arg6[%dma_wait3A, %dma_wait3A_754, %dma_wait3A_755] : memref<2x8x4096xf32, #tpu.memory_space<vmem>> -> memref<1x8x4096xf32, #tpu.memory_space<vmem>>
      %dma_wait3A_757 = tpu.memref_squeeze %dma_wait3A_756 : memref<1x8x4096xf32, #tpu.memory_space<vmem>> -> memref<8x4096xf32, #tpu.memory_space<vmem>>
      %dma_wait3A_758 = arith.constant 0 : i32
      %dma_wait3A_759 = arith.constant 0 : i32
      %dma_wait3A_760 = tpu.memref_slice %arg2[%dma_wait3A_758, %dma_wait3A_759] : memref<8192x4096xf32, #tpu.memory_space<hbm>> -> memref<8x4096xf32, #tpu.memory_space<hbm>>
      tpu.wait_dma2 semaphore(%arg11 : memref<!tpu.dma_semaphore, #tpu.memory_space<semaphore_mem>>) src(%dma_wait3A_760 : memref<8x4096xf32, #tpu.memory_space<hbm>>) dst(%dma_wait3A_757 : memref<8x4096xf32, #tpu.memory_space<vmem>>)
      %parallel_loop3A = arith.constant 0 : i32
      %parallel_loop3A_761 = arith.constant 256 : i32
      %parallel_loop3A_762 = arith.constant 1 : i32
      scf.for %parallel_loop3A_793 = %parallel_loop3A to %parallel_loop3A_761 step %parallel_loop3A_762  : i32 {
        %parallel_loop3A_794 = arith.constant 16 : i32
        %parallel_loop3A_795 = arith.muli %parallel_loop3A_793, %parallel_loop3A_794 : i32
        %parallel_loop3A_796 = arith.constant 0 : i32
        %parallel_loop3A_797 = arith.constant 0 : i32
        %parallel_loop3A_798 = arith.index_cast %parallel_loop3A_796 : i32 to index
        %parallel_loop3A_799 = arith.index_cast %parallel_loop3A_797 : i32 to index
        %parallel_loop3A_800 = arith.index_cast %parallel_loop3A_795 : i32 to index
        %parallel_loop3A_801 = tpu.vector_load %arg6[%parallel_loop3A_798, %parallel_loop3A_799, %parallel_loop3A_800] {strides = array<i32>} : memref<2x8x4096xf32, #tpu.memory_space<vmem>>, vector<16xf32>,
        %parallel_loop3A_802 = arith.constant 16 : i32
        %parallel_loop3A_803 = arith.muli %parallel_loop3A_793, %parallel_loop3A_802 : i32
        %parallel_loop3A_804 = arith.constant 0 : i32
        %parallel_loop3A_805 = arith.constant 1 : i32
        %parallel_loop3A_806 = arith.index_cast %parallel_loop3A_804 : i32 to index
        %parallel_loop3A_807 = arith.index_cast %parallel_loop3A_805 : i32 to index
        %parallel_loop3A_808 = arith.index_cast %parallel_loop3A_803 : i32 to index
        %parallel_loop3A_809 = tpu.vector_load %arg6[%parallel_loop3A_806, %parallel_loop3A_807, %parallel_loop3A_808] {strides = array<i32>} : memref<2x8x4096xf32, #tpu.memory_space<vmem>>, vector<16xf32>,
        %parallel_loop3A_810 = arith.constant 16 : i32
        %parallel_loop3A_811 = arith.muli %parallel_loop3A_793, %parallel_loop3A_810 : i32
        %parallel_loop3A_812 = arith.constant 0 : i32
        %parallel_loop3A_813 = arith.constant 2 : i32
        %parallel_loop3A_814 = arith.index_cast %parallel_loop3A_812 : i32 to index
        %parallel_loop3A_815 = arith.index_cast %parallel_loop3A_813 : i32 to index
        %parallel_loop3A_816 = arith.index_cast %parallel_loop3A_811 : i32 to index
        %parallel_loop3A_817 = tpu.vector_load %arg6[%parallel_loop3A_814, %parallel_loop3A_815, %parallel_loop3A_816] {strides = array<i32>} : memref<2x8x4096xf32, #tpu.memory_space<vmem>>, vector<16xf32>,
        %parallel_loop3A_818 = arith.constant 16 : i32
        %parallel_loop3A_819 = arith.muli %parallel_loop3A_793, %parallel_loop3A_818 : i32
        %parallel_loop3A_820 = arith.constant 0 : i32
        %parallel_loop3A_821 = arith.constant 3 : i32
        %parallel_loop3A_822 = arith.index_cast %parallel_loop3A_820 : i32 to index
        %parallel_loop3A_823 = arith.index_cast %parallel_loop3A_821 : i32 to index
        %parallel_loop3A_824 = arith.index_cast %parallel_loop3A_819 : i32 to index
        %parallel_loop3A_825 = tpu.vector_load %arg6[%parallel_loop3A_822, %parallel_loop3A_823, %parallel_loop3A_824] {strides = array<i32>} : memref<2x8x4096xf32, #tpu.memory_space<vmem>>, vector<16xf32>,
        %parallel_loop3A_826 = arith.constant 16 : i32
        %parallel_loop3A_827 = arith.muli %parallel_loop3A_793, %parallel_loop3A_826 : i32
        %parallel_loop3A_828 = arith.constant 0 : i32
        %parallel_loop3A_829 = arith.constant 4 : i32
        %parallel_loop3A_830 = arith.index_cast %parallel_loop3A_828 : i32 to index
        %parallel_loop3A_831 = arith.index_cast %parallel_loop3A_829 : i32 to index
        %parallel_loop3A_832 = arith.index_cast %parallel_loop3A_827 : i32 to index
        %parallel_loop3A_833 = tpu.vector_load %arg6[%parallel_loop3A_830, %parallel_loop3A_831, %parallel_loop3A_832] {strides = array<i32>} : memref<2x8x4096xf32, #tpu.memory_space<vmem>>, vector<16xf32>,
        %parallel_loop3A_834 = arith.constant 16 : i32
        %parallel_loop3A_835 = arith.muli %parallel_loop3A_793, %parallel_loop3A_834 : i32
        %parallel_loop3A_836 = arith.constant 0 : i32
        %parallel_loop3A_837 = arith.constant 5 : i32
        %parallel_loop3A_838 = arith.index_cast %parallel_loop3A_836 : i32 to index
        %parallel_loop3A_839 = arith.index_cast %parallel_loop3A_837 : i32 to index
        %parallel_loop3A_840 = arith.index_cast %parallel_loop3A_835 : i32 to index
        %parallel_loop3A_841 = tpu.vector_load %arg6[%parallel_loop3A_838, %parallel_loop3A_839, %parallel_loop3A_840] {strides = array<i32>} : memref<2x8x4096xf32, #tpu.memory_space<vmem>>, vector<16xf32>,
        %parallel_loop3A_842 = arith.constant 16 : i32
        %parallel_loop3A_843 = arith.muli %parallel_loop3A_793, %parallel_loop3A_842 : i32
        %parallel_loop3A_844 = arith.constant 0 : i32
        %parallel_loop3A_845 = arith.constant 6 : i32
        %parallel_loop3A_846 = arith.index_cast %parallel_loop3A_844 : i32 to index
        %parallel_loop3A_847 = arith.index_cast %parallel_loop3A_845 : i32 to index
        %parallel_loop3A_848 = arith.index_cast %parallel_loop3A_843 : i32 to index
        %parallel_loop3A_849 = tpu.vector_load %arg6[%parallel_loop3A_846, %parallel_loop3A_847, %parallel_loop3A_848] {strides = array<i32>} : memref<2x8x4096xf32, #tpu.memory_space<vmem>>, vector<16xf32>,
        %parallel_loop3A_850 = arith.constant 16 : i32
        %parallel_loop3A_851 = arith.muli %parallel_loop3A_793, %parallel_loop3A_850 : i32
        %parallel_loop3A_852 = arith.constant 0 : i32
        %parallel_loop3A_853 = arith.constant 7 : i32
        %parallel_loop3A_854 = arith.index_cast %parallel_loop3A_852 : i32 to index
        %parallel_loop3A_855 = arith.index_cast %parallel_loop3A_853 : i32 to index
        %parallel_loop3A_856 = arith.index_cast %parallel_loop3A_851 : i32 to index
        %parallel_loop3A_857 = tpu.vector_load %arg6[%parallel_loop3A_854, %parallel_loop3A_855, %parallel_loop3A_856] {strides = array<i32>} : memref<2x8x4096xf32, #tpu.memory_space<vmem>>, vector<16xf32>,
        %parallel_loop3A_858 = arith.subf %parallel_loop3A_801, %broadcast_in_dim3A_693 : vector<16xf32>
        %parallel_loop3A_859 = arith.mulf %parallel_loop3A_858, %div3A_696 : vector<16xf32>
        %parallel_loop3A_860 = arith.addf %parallel_loop3A_859, %broadcast_in_dim3A_698 : vector<16xf32>
        %parallel_loop3A_861 = arith.subf %parallel_loop3A_809, %broadcast_in_dim3A_693 : vector<16xf32>
        %parallel_loop3A_862 = arith.mulf %parallel_loop3A_861, %div3A_696 : vector<16xf32>
        %parallel_loop3A_863 = arith.addf %parallel_loop3A_862, %broadcast_in_dim3A_698 : vector<16xf32>
        %parallel_loop3A_864 = arith.subf %parallel_loop3A_817, %broadcast_in_dim3A_693 : vector<16xf32>
        %parallel_loop3A_865 = arith.mulf %parallel_loop3A_864, %div3A_696 : vector<16xf32>
        %parallel_loop3A_866 = arith.addf %parallel_loop3A_865, %broadcast_in_dim3A_698 : vector<16xf32>
        %parallel_loop3A_867 = arith.subf %parallel_loop3A_825, %broadcast_in_dim3A_693 : vector<16xf32>
        %parallel_loop3A_868 = arith.mulf %parallel_loop3A_867, %div3A_696 : vector<16xf32>
        %parallel_loop3A_869 = arith.addf %parallel_loop3A_868, %broadcast_in_dim3A_698 : vector<16xf32>
        %parallel_loop3A_870 = arith.subf %parallel_loop3A_833, %broadcast_in_dim3A_693 : vector<16xf32>
        %parallel_loop3A_871 = arith.mulf %parallel_loop3A_870, %div3A_696 : vector<16xf32>
        %parallel_loop3A_872 = arith.addf %parallel_loop3A_871, %broadcast_in_dim3A_698 : vector<16xf32>
        %parallel_loop3A_873 = arith.subf %parallel_loop3A_841, %broadcast_in_dim3A_693 : vector<16xf32>
        %parallel_loop3A_874 = arith.mulf %parallel_loop3A_873, %div3A_696 : vector<16xf32>
        %parallel_loop3A_875 = arith.addf %parallel_loop3A_874, %broadcast_in_dim3A_698 : vector<16xf32>
        %parallel_loop3A_876 = arith.subf %parallel_loop3A_849, %broadcast_in_dim3A_693 : vector<16xf32>
        %parallel_loop3A_877 = arith.mulf %parallel_loop3A_876, %div3A_696 : vector<16xf32>
        %parallel_loop3A_878 = arith.addf %parallel_loop3A_877, %broadcast_in_dim3A_698 : vector<16xf32>
        %parallel_loop3A_879 = arith.subf %parallel_loop3A_857, %broadcast_in_dim3A_693 : vector<16xf32>
        %parallel_loop3A_880 = arith.mulf %parallel_loop3A_879, %div3A_696 : vector<16xf32>
        %parallel_loop3A_881 = arith.addf %parallel_loop3A_880, %broadcast_in_dim3A_698 : vector<16xf32>
        %parallel_loop3A_882 = tpu.bitcast %parallel_loop3A_860 : vector<16xf32> -> vector<16xi32>
        %parallel_loop3A_883 = tpu.bitcast %parallel_loop3A_863 : vector<16xf32> -> vector<16xi32>
        %parallel_loop3A_884 = tpu.bitcast %parallel_loop3A_866 : vector<16xf32> -> vector<16xi32>
        %parallel_loop3A_885 = tpu.bitcast %parallel_loop3A_869 : vector<16xf32> -> vector<16xi32>
        %parallel_loop3A_886 = tpu.bitcast %parallel_loop3A_872 : vector<16xf32> -> vector<16xi32>
        %parallel_loop3A_887 = tpu.bitcast %parallel_loop3A_875 : vector<16xf32> -> vector<16xi32>
        %parallel_loop3A_888 = tpu.bitcast %parallel_loop3A_878 : vector<16xf32> -> vector<16xi32>
        %parallel_loop3A_889 = tpu.bitcast %parallel_loop3A_881 : vector<16xf32> -> vector<16xi32>
        %parallel_loop3A_890 = arith.constant 32752 : i32
        %parallel_loop3A_891 = vector.broadcast %parallel_loop3A_890 : i32 to vector<16xi32>
        %parallel_loop3A_892 = arith.andi %parallel_loop3A_882, %parallel_loop3A_891 : vector<16xi32>
        %parallel_loop3A_893 = arith.ori %parallel_loop3A_892, %iota3A : vector<16xi32>
        %parallel_loop3A_894 = arith.constant 32752 : i32
        %parallel_loop3A_895 = vector.broadcast %parallel_loop3A_894 : i32 to vector<16xi32>
        %parallel_loop3A_896 = arith.andi %parallel_loop3A_883, %parallel_loop3A_895 : vector<16xi32>
        %parallel_loop3A_897 = arith.ori %parallel_loop3A_896, %iota3A : vector<16xi32>
        %parallel_loop3A_898 = arith.constant 32752 : i32
        %parallel_loop3A_899 = vector.broadcast %parallel_loop3A_898 : i32 to vector<16xi32>
        %parallel_loop3A_900 = arith.andi %parallel_loop3A_884, %parallel_loop3A_899 : vector<16xi32>
        %parallel_loop3A_901 = arith.ori %parallel_loop3A_900, %iota3A : vector<16xi32>
        %parallel_loop3A_902 = arith.constant 32752 : i32
        %parallel_loop3A_903 = vector.broadcast %parallel_loop3A_902 : i32 to vector<16xi32>
        %parallel_loop3A_904 = arith.andi %parallel_loop3A_885, %parallel_loop3A_903 : vector<16xi32>
        %parallel_loop3A_905 = arith.ori %parallel_loop3A_904, %iota3A : vector<16xi32>
        %parallel_loop3A_906 = arith.constant 32752 : i32
        %parallel_loop3A_907 = vector.broadcast %parallel_loop3A_906 : i32 to vector<16xi32>
        %parallel_loop3A_908 = arith.andi %parallel_loop3A_886, %parallel_loop3A_907 : vector<16xi32>
        %parallel_loop3A_909 = arith.ori %parallel_loop3A_908, %iota3A : vector<16xi32>
        %parallel_loop3A_910 = arith.constant 32752 : i32
        %parallel_loop3A_911 = vector.broadcast %parallel_loop3A_910 : i32 to vector<16xi32>
        %parallel_loop3A_912 = arith.andi %parallel_loop3A_887, %parallel_loop3A_911 : vector<16xi32>
        %parallel_loop3A_913 = arith.ori %parallel_loop3A_912, %iota3A : vector<16xi32>
        %parallel_loop3A_914 = arith.constant 32752 : i32
        %parallel_loop3A_915 = vector.broadcast %parallel_loop3A_914 : i32 to vector<16xi32>
        %parallel_loop3A_916 = arith.andi %parallel_loop3A_888, %parallel_loop3A_915 : vector<16xi32>
        %parallel_loop3A_917 = arith.ori %parallel_loop3A_916, %iota3A : vector<16xi32>
        %parallel_loop3A_918 = arith.constant 32752 : i32
        %parallel_loop3A_919 = vector.broadcast %parallel_loop3A_918 : i32 to vector<16xi32>
        %parallel_loop3A_920 = arith.andi %parallel_loop3A_889, %parallel_loop3A_919 : vector<16xi32>
        %parallel_loop3A_921 = arith.ori %parallel_loop3A_920, %iota3A : vector<16xi32>
        tpu.vector_store_idx %arg9[%parallel_loop3A_893], %broadcast_in_dim3A_708 {add = true} : memref<32768xf32, #tpu.memory_space<vmem>>[vector<16xi32>], vector<16xf32>,
        tpu.vector_store_idx %arg9[%parallel_loop3A_897], %broadcast_in_dim3A_708 {add = true} : memref<32768xf32, #tpu.memory_space<vmem>>[vector<16xi32>], vector<16xf32>,
        tpu.vector_store_idx %arg9[%parallel_loop3A_901], %broadcast_in_dim3A_708 {add = true} : memref<32768xf32, #tpu.memory_space<vmem>>[vector<16xi32>], vector<16xf32>,
        tpu.vector_store_idx %arg9[%parallel_loop3A_905], %broadcast_in_dim3A_708 {add = true} : memref<32768xf32, #tpu.memory_space<vmem>>[vector<16xi32>], vector<16xf32>,
        tpu.vector_store_idx %arg9[%parallel_loop3A_909], %broadcast_in_dim3A_708 {add = true} : memref<32768xf32, #tpu.memory_space<vmem>>[vector<16xi32>], vector<16xf32>,
        tpu.vector_store_idx %arg9[%parallel_loop3A_913], %broadcast_in_dim3A_708 {add = true} : memref<32768xf32, #tpu.memory_space<vmem>>[vector<16xi32>], vector<16xf32>,
        tpu.vector_store_idx %arg9[%parallel_loop3A_917], %broadcast_in_dim3A_708 {add = true} : memref<32768xf32, #tpu.memory_space<vmem>>[vector<16xi32>], vector<16xf32>,
        tpu.vector_store_idx %arg9[%parallel_loop3A_921], %broadcast_in_dim3A_708 {add = true} : memref<32768xf32, #tpu.memory_space<vmem>>[vector<16xi32>], vector<16xf32>,
      } {sc.loop_unroll_factor = 1 : i64, sc.parallel_access}
      %mul3A_763 = arith.constant 2 : i32
      %mul3A_764 = arith.muli %scan3A_737, %mul3A_763 : i32
      %add3A_765 = arith.constant 1 : i32
      %add3A_766 = arith.addi %mul3A_764, %add3A_765 : i32
      %add3A_767 = arith.constant 1 : i32
      %add3A_768 = arith.addi %add3A_766, %add3A_767 : i32
      %lt3A_769 = arith.constant 32 : i32
      %lt3A_770 = arith.cmpi slt, %add3A_768, %lt3A_769 : i32
      %convert_element_type3A_771 = arith.extui %lt3A_770 : i1 to i32
      %cond3A_772 = arith.constant 0 : i32
      %cond3A_773 = arith.cmpi ne, %convert_element_type3A_771, %cond3A_772 : i32
      scf.if %cond3A_773 {
        %add3A_793 = arith.constant 1 : i32
        %add3A_794 = arith.addi %add3A_766, %add3A_793 : i32
        %mul3A_795 = arith.constant 8 : i32
        %mul3A_796 = arith.muli %add3A_794, %mul3A_795 : i32
        %add3A_797 = arith.addi %mul3A_2, %mul3A_796 : i32
        %dma_start3A_798 = arith.constant 0 : i32
        %dma_start3A_799 = arith.constant 0 : i32
        %dma_start3A_800 = arith.constant 0 : i32
        %dma_start3A_801 = tpu.memref_slice %arg6[%dma_start3A_798, %dma_start3A_799, %dma_start3A_800] : memref<2x8x4096xf32, #tpu.memory_space<vmem>> -> memref<1x8x4096xf32, #tpu.memory_space<vmem>>
        %dma_start3A_802 = tpu.memref_squeeze %dma_start3A_801 : memref<1x8x4096xf32, #tpu.memory_space<vmem>> -> memref<8x4096xf32, #tpu.memory_space<vmem>>
        %dma_start3A_803 = arith.constant 0 : i32
        %dma_start3A_804 = tpu.memref_slice %arg2[%add3A_797, %dma_start3A_803] : memref<8192x4096xf32, #tpu.memory_space<hbm>> -> memref<8x4096xf32, #tpu.memory_space<hbm>>
        %dma_start3A_805 = arith.constant 0 : i32
        %dma_start3A_806 = arith.constant 0 : i32
        %dma_start3A_807 = tpu.memref_slice %arg6[%dma_start3A_798, %dma_start3A_805, %dma_start3A_806] : memref<2x8x4096xf32, #tpu.memory_space<vmem>> -> memref<1x8x4096xf32, #tpu.memory_space<vmem>>
        %dma_start3A_808 = tpu.memref_squeeze %dma_start3A_807 : memref<1x8x4096xf32, #tpu.memory_space<vmem>> -> memref<8x4096xf32, #tpu.memory_space<vmem>>
        %dma_start3A_809 = arith.constant 0 : i32
        %dma_start3A_810 = tpu.memref_slice %arg2[%add3A_797, %dma_start3A_809] : memref<8192x4096xf32, #tpu.memory_space<hbm>> -> memref<8x4096xf32, #tpu.memory_space<hbm>>
        tpu.enqueue_dma source(%dma_start3A_810 : memref<8x4096xf32, #tpu.memory_space<hbm>>) target(%dma_start3A_808 : memref<8x4096xf32, #tpu.memory_space<vmem>>) target_semaphore(%arg11 : memref<!tpu.dma_semaphore, #tpu.memory_space<semaphore_mem>>)
      } else {
      }
      %dma_wait3A_774 = arith.constant 1 : i32
      %dma_wait3A_775 = arith.constant 0 : i32
      %dma_wait3A_776 = arith.constant 0 : i32
      %dma_wait3A_777 = tpu.memref_slice %arg6[%dma_wait3A_774, %dma_wait3A_775, %dma_wait3A_776] : memref<2x8x4096xf32, #tpu.memory_space<vmem>> -> memref<1x8x4096xf32, #tpu.memory_space<vmem>>
      %dma_wait3A_778 = tpu.memref_squeeze %dma_wait3A_777 : memref<1x8x4096xf32, #tpu.memory_space<vmem>> -> memref<8x4096xf32, #tpu.memory_space<vmem>>
      %dma_wait3A_779 = arith.constant 0 : i32
      %dma_wait3A_780 = arith.constant 0 : i32
      %dma_wait3A_781 = tpu.memref_slice %arg2[%dma_wait3A_779, %dma_wait3A_780] : memref<8192x4096xf32, #tpu.memory_space<hbm>> -> memref<8x4096xf32, #tpu.memory_space<hbm>>
      %dma_wait3A_782 = arith.constant 0 : i32
      %dma_wait3A_783 = arith.constant 0 : i32
      %dma_wait3A_784 = tpu.memref_slice %arg6[%dma_wait3A_774, %dma_wait3A_782, %dma_wait3A_783] : memref<2x8x4096xf32, #tpu.memory_space<vmem>> -> memref<1x8x4096xf32, #tpu.memory_space<vmem>>
      %dma_wait3A_785 = tpu.memref_squeeze %dma_wait3A_784 : memref<1x8x4096xf32, #tpu.memory_space<vmem>> -> memref<8x4096xf32, #tpu.memory_space<vmem>>
      %dma_wait3A_786 = arith.constant 0 : i32
      %dma_wait3A_787 = arith.constant 0 : i32
      %dma_wait3A_788 = tpu.memref_slice %arg2[%dma_wait3A_786, %dma_wait3A_787] : memref<8192x4096xf32, #tpu.memory_space<hbm>> -> memref<8x4096xf32, #tpu.memory_space<hbm>>
      tpu.wait_dma2 semaphore(%arg12 : memref<!tpu.dma_semaphore, #tpu.memory_space<semaphore_mem>>) src(%dma_wait3A_788 : memref<8x4096xf32, #tpu.memory_space<hbm>>) dst(%dma_wait3A_785 : memref<8x4096xf32, #tpu.memory_space<vmem>>)
      %parallel_loop3A_789 = arith.constant 0 : i32
      %parallel_loop3A_790 = arith.constant 256 : i32
      %parallel_loop3A_791 = arith.constant 1 : i32
      scf.for %parallel_loop3A_793 = %parallel_loop3A_789 to %parallel_loop3A_790 step %parallel_loop3A_791  : i32 {
        %parallel_loop3A_794 = arith.constant 16 : i32
        %parallel_loop3A_795 = arith.muli %parallel_loop3A_793, %parallel_loop3A_794 : i32
        %parallel_loop3A_796 = arith.constant 1 : i32
        %parallel_loop3A_797 = arith.constant 0 : i32
        %parallel_loop3A_798 = arith.index_cast %parallel_loop3A_796 : i32 to index
        %parallel_loop3A_799 = arith.index_cast %parallel_loop3A_797 : i32 to index
        %parallel_loop3A_800 = arith.index_cast %parallel_loop3A_795 : i32 to index
        %parallel_loop3A_801 = tpu.vector_load %arg6[%parallel_loop3A_798, %parallel_loop3A_799, %parallel_loop3A_800] {strides = array<i32>} : memref<2x8x4096xf32, #tpu.memory_space<vmem>>, vector<16xf32>,
        %parallel_loop3A_802 = arith.constant 16 : i32
        %parallel_loop3A_803 = arith.muli %parallel_loop3A_793, %parallel_loop3A_802 : i32
        %parallel_loop3A_804 = arith.constant 1 : i32
        %parallel_loop3A_805 = arith.constant 1 : i32
        %parallel_loop3A_806 = arith.index_cast %parallel_loop3A_804 : i32 to index
        %parallel_loop3A_807 = arith.index_cast %parallel_loop3A_805 : i32 to index
        %parallel_loop3A_808 = arith.index_cast %parallel_loop3A_803 : i32 to index
        %parallel_loop3A_809 = tpu.vector_load %arg6[%parallel_loop3A_806, %parallel_loop3A_807, %parallel_loop3A_808] {strides = array<i32>} : memref<2x8x4096xf32, #tpu.memory_space<vmem>>, vector<16xf32>,
        %parallel_loop3A_810 = arith.constant 16 : i32
        %parallel_loop3A_811 = arith.muli %parallel_loop3A_793, %parallel_loop3A_810 : i32
        %parallel_loop3A_812 = arith.constant 1 : i32
        %parallel_loop3A_813 = arith.constant 2 : i32
        %parallel_loop3A_814 = arith.index_cast %parallel_loop3A_812 : i32 to index
        %parallel_loop3A_815 = arith.index_cast %parallel_loop3A_813 : i32 to index
        %parallel_loop3A_816 = arith.index_cast %parallel_loop3A_811 : i32 to index
        %parallel_loop3A_817 = tpu.vector_load %arg6[%parallel_loop3A_814, %parallel_loop3A_815, %parallel_loop3A_816] {strides = array<i32>} : memref<2x8x4096xf32, #tpu.memory_space<vmem>>, vector<16xf32>,
        %parallel_loop3A_818 = arith.constant 16 : i32
        %parallel_loop3A_819 = arith.muli %parallel_loop3A_793, %parallel_loop3A_818 : i32
        %parallel_loop3A_820 = arith.constant 1 : i32
        %parallel_loop3A_821 = arith.constant 3 : i32
        %parallel_loop3A_822 = arith.index_cast %parallel_loop3A_820 : i32 to index
        %parallel_loop3A_823 = arith.index_cast %parallel_loop3A_821 : i32 to index
        %parallel_loop3A_824 = arith.index_cast %parallel_loop3A_819 : i32 to index
        %parallel_loop3A_825 = tpu.vector_load %arg6[%parallel_loop3A_822, %parallel_loop3A_823, %parallel_loop3A_824] {strides = array<i32>} : memref<2x8x4096xf32, #tpu.memory_space<vmem>>, vector<16xf32>,
        %parallel_loop3A_826 = arith.constant 16 : i32
        %parallel_loop3A_827 = arith.muli %parallel_loop3A_793, %parallel_loop3A_826 : i32
        %parallel_loop3A_828 = arith.constant 1 : i32
        %parallel_loop3A_829 = arith.constant 4 : i32
        %parallel_loop3A_830 = arith.index_cast %parallel_loop3A_828 : i32 to index
        %parallel_loop3A_831 = arith.index_cast %parallel_loop3A_829 : i32 to index
        %parallel_loop3A_832 = arith.index_cast %parallel_loop3A_827 : i32 to index
        %parallel_loop3A_833 = tpu.vector_load %arg6[%parallel_loop3A_830, %parallel_loop3A_831, %parallel_loop3A_832] {strides = array<i32>} : memref<2x8x4096xf32, #tpu.memory_space<vmem>>, vector<16xf32>,
        %parallel_loop3A_834 = arith.constant 16 : i32
        %parallel_loop3A_835 = arith.muli %parallel_loop3A_793, %parallel_loop3A_834 : i32
        %parallel_loop3A_836 = arith.constant 1 : i32
        %parallel_loop3A_837 = arith.constant 5 : i32
        %parallel_loop3A_838 = arith.index_cast %parallel_loop3A_836 : i32 to index
        %parallel_loop3A_839 = arith.index_cast %parallel_loop3A_837 : i32 to index
        %parallel_loop3A_840 = arith.index_cast %parallel_loop3A_835 : i32 to index
        %parallel_loop3A_841 = tpu.vector_load %arg6[%parallel_loop3A_838, %parallel_loop3A_839, %parallel_loop3A_840] {strides = array<i32>} : memref<2x8x4096xf32, #tpu.memory_space<vmem>>, vector<16xf32>,
        %parallel_loop3A_842 = arith.constant 16 : i32
        %parallel_loop3A_843 = arith.muli %parallel_loop3A_793, %parallel_loop3A_842 : i32
        %parallel_loop3A_844 = arith.constant 1 : i32
        %parallel_loop3A_845 = arith.constant 6 : i32
        %parallel_loop3A_846 = arith.index_cast %parallel_loop3A_844 : i32 to index
        %parallel_loop3A_847 = arith.index_cast %parallel_loop3A_845 : i32 to index
        %parallel_loop3A_848 = arith.index_cast %parallel_loop3A_843 : i32 to index
        %parallel_loop3A_849 = tpu.vector_load %arg6[%parallel_loop3A_846, %parallel_loop3A_847, %parallel_loop3A_848] {strides = array<i32>} : memref<2x8x4096xf32, #tpu.memory_space<vmem>>, vector<16xf32>,
        %parallel_loop3A_850 = arith.constant 16 : i32
        %parallel_loop3A_851 = arith.muli %parallel_loop3A_793, %parallel_loop3A_850 : i32
        %parallel_loop3A_852 = arith.constant 1 : i32
        %parallel_loop3A_853 = arith.constant 7 : i32
        %parallel_loop3A_854 = arith.index_cast %parallel_loop3A_852 : i32 to index
        %parallel_loop3A_855 = arith.index_cast %parallel_loop3A_853 : i32 to index
        %parallel_loop3A_856 = arith.index_cast %parallel_loop3A_851 : i32 to index
        %parallel_loop3A_857 = tpu.vector_load %arg6[%parallel_loop3A_854, %parallel_loop3A_855, %parallel_loop3A_856] {strides = array<i32>} : memref<2x8x4096xf32, #tpu.memory_space<vmem>>, vector<16xf32>,
        %parallel_loop3A_858 = arith.subf %parallel_loop3A_801, %broadcast_in_dim3A_693 : vector<16xf32>
        %parallel_loop3A_859 = arith.mulf %parallel_loop3A_858, %div3A_696 : vector<16xf32>
        %parallel_loop3A_860 = arith.addf %parallel_loop3A_859, %broadcast_in_dim3A_698 : vector<16xf32>
        %parallel_loop3A_861 = arith.subf %parallel_loop3A_809, %broadcast_in_dim3A_693 : vector<16xf32>
        %parallel_loop3A_862 = arith.mulf %parallel_loop3A_861, %div3A_696 : vector<16xf32>
        %parallel_loop3A_863 = arith.addf %parallel_loop3A_862, %broadcast_in_dim3A_698 : vector<16xf32>
        %parallel_loop3A_864 = arith.subf %parallel_loop3A_817, %broadcast_in_dim3A_693 : vector<16xf32>
        %parallel_loop3A_865 = arith.mulf %parallel_loop3A_864, %div3A_696 : vector<16xf32>
        %parallel_loop3A_866 = arith.addf %parallel_loop3A_865, %broadcast_in_dim3A_698 : vector<16xf32>
        %parallel_loop3A_867 = arith.subf %parallel_loop3A_825, %broadcast_in_dim3A_693 : vector<16xf32>
        %parallel_loop3A_868 = arith.mulf %parallel_loop3A_867, %div3A_696 : vector<16xf32>
        %parallel_loop3A_869 = arith.addf %parallel_loop3A_868, %broadcast_in_dim3A_698 : vector<16xf32>
        %parallel_loop3A_870 = arith.subf %parallel_loop3A_833, %broadcast_in_dim3A_693 : vector<16xf32>
        %parallel_loop3A_871 = arith.mulf %parallel_loop3A_870, %div3A_696 : vector<16xf32>
        %parallel_loop3A_872 = arith.addf %parallel_loop3A_871, %broadcast_in_dim3A_698 : vector<16xf32>
        %parallel_loop3A_873 = arith.subf %parallel_loop3A_841, %broadcast_in_dim3A_693 : vector<16xf32>
        %parallel_loop3A_874 = arith.mulf %parallel_loop3A_873, %div3A_696 : vector<16xf32>
        %parallel_loop3A_875 = arith.addf %parallel_loop3A_874, %broadcast_in_dim3A_698 : vector<16xf32>
        %parallel_loop3A_876 = arith.subf %parallel_loop3A_849, %broadcast_in_dim3A_693 : vector<16xf32>
        %parallel_loop3A_877 = arith.mulf %parallel_loop3A_876, %div3A_696 : vector<16xf32>
        %parallel_loop3A_878 = arith.addf %parallel_loop3A_877, %broadcast_in_dim3A_698 : vector<16xf32>
        %parallel_loop3A_879 = arith.subf %parallel_loop3A_857, %broadcast_in_dim3A_693 : vector<16xf32>
        %parallel_loop3A_880 = arith.mulf %parallel_loop3A_879, %div3A_696 : vector<16xf32>
        %parallel_loop3A_881 = arith.addf %parallel_loop3A_880, %broadcast_in_dim3A_698 : vector<16xf32>
        %parallel_loop3A_882 = tpu.bitcast %parallel_loop3A_860 : vector<16xf32> -> vector<16xi32>
        %parallel_loop3A_883 = tpu.bitcast %parallel_loop3A_863 : vector<16xf32> -> vector<16xi32>
        %parallel_loop3A_884 = tpu.bitcast %parallel_loop3A_866 : vector<16xf32> -> vector<16xi32>
        %parallel_loop3A_885 = tpu.bitcast %parallel_loop3A_869 : vector<16xf32> -> vector<16xi32>
        %parallel_loop3A_886 = tpu.bitcast %parallel_loop3A_872 : vector<16xf32> -> vector<16xi32>
        %parallel_loop3A_887 = tpu.bitcast %parallel_loop3A_875 : vector<16xf32> -> vector<16xi32>
        %parallel_loop3A_888 = tpu.bitcast %parallel_loop3A_878 : vector<16xf32> -> vector<16xi32>
        %parallel_loop3A_889 = tpu.bitcast %parallel_loop3A_881 : vector<16xf32> -> vector<16xi32>
        %parallel_loop3A_890 = arith.constant 32752 : i32
        %parallel_loop3A_891 = vector.broadcast %parallel_loop3A_890 : i32 to vector<16xi32>
        %parallel_loop3A_892 = arith.andi %parallel_loop3A_882, %parallel_loop3A_891 : vector<16xi32>
        %parallel_loop3A_893 = arith.ori %parallel_loop3A_892, %iota3A : vector<16xi32>
        %parallel_loop3A_894 = arith.constant 32752 : i32
        %parallel_loop3A_895 = vector.broadcast %parallel_loop3A_894 : i32 to vector<16xi32>
        %parallel_loop3A_896 = arith.andi %parallel_loop3A_883, %parallel_loop3A_895 : vector<16xi32>
        %parallel_loop3A_897 = arith.ori %parallel_loop3A_896, %iota3A : vector<16xi32>
        %parallel_loop3A_898 = arith.constant 32752 : i32
        %parallel_loop3A_899 = vector.broadcast %parallel_loop3A_898 : i32 to vector<16xi32>
        %parallel_loop3A_900 = arith.andi %parallel_loop3A_884, %parallel_loop3A_899 : vector<16xi32>
        %parallel_loop3A_901 = arith.ori %parallel_loop3A_900, %iota3A : vector<16xi32>
        %parallel_loop3A_902 = arith.constant 32752 : i32
        %parallel_loop3A_903 = vector.broadcast %parallel_loop3A_902 : i32 to vector<16xi32>
        %parallel_loop3A_904 = arith.andi %parallel_loop3A_885, %parallel_loop3A_903 : vector<16xi32>
        %parallel_loop3A_905 = arith.ori %parallel_loop3A_904, %iota3A : vector<16xi32>
        %parallel_loop3A_906 = arith.constant 32752 : i32
        %parallel_loop3A_907 = vector.broadcast %parallel_loop3A_906 : i32 to vector<16xi32>
        %parallel_loop3A_908 = arith.andi %parallel_loop3A_886, %parallel_loop3A_907 : vector<16xi32>
        %parallel_loop3A_909 = arith.ori %parallel_loop3A_908, %iota3A : vector<16xi32>
        %parallel_loop3A_910 = arith.constant 32752 : i32
        %parallel_loop3A_911 = vector.broadcast %parallel_loop3A_910 : i32 to vector<16xi32>
        %parallel_loop3A_912 = arith.andi %parallel_loop3A_887, %parallel_loop3A_911 : vector<16xi32>
        %parallel_loop3A_913 = arith.ori %parallel_loop3A_912, %iota3A : vector<16xi32>
        %parallel_loop3A_914 = arith.constant 32752 : i32
        %parallel_loop3A_915 = vector.broadcast %parallel_loop3A_914 : i32 to vector<16xi32>
        %parallel_loop3A_916 = arith.andi %parallel_loop3A_888, %parallel_loop3A_915 : vector<16xi32>
        %parallel_loop3A_917 = arith.ori %parallel_loop3A_916, %iota3A : vector<16xi32>
        %parallel_loop3A_918 = arith.constant 32752 : i32
        %parallel_loop3A_919 = vector.broadcast %parallel_loop3A_918 : i32 to vector<16xi32>
        %parallel_loop3A_920 = arith.andi %parallel_loop3A_889, %parallel_loop3A_919 : vector<16xi32>
        %parallel_loop3A_921 = arith.ori %parallel_loop3A_920, %iota3A : vector<16xi32>
        tpu.vector_store_idx %arg9[%parallel_loop3A_893], %broadcast_in_dim3A_708 {add = true} : memref<32768xf32, #tpu.memory_space<vmem>>[vector<16xi32>], vector<16xf32>,
        tpu.vector_store_idx %arg9[%parallel_loop3A_897], %broadcast_in_dim3A_708 {add = true} : memref<32768xf32, #tpu.memory_space<vmem>>[vector<16xi32>], vector<16xf32>,
        tpu.vector_store_idx %arg9[%parallel_loop3A_901], %broadcast_in_dim3A_708 {add = true} : memref<32768xf32, #tpu.memory_space<vmem>>[vector<16xi32>], vector<16xf32>,
        tpu.vector_store_idx %arg9[%parallel_loop3A_905], %broadcast_in_dim3A_708 {add = true} : memref<32768xf32, #tpu.memory_space<vmem>>[vector<16xi32>], vector<16xf32>,
        tpu.vector_store_idx %arg9[%parallel_loop3A_909], %broadcast_in_dim3A_708 {add = true} : memref<32768xf32, #tpu.memory_space<vmem>>[vector<16xi32>], vector<16xf32>,
        tpu.vector_store_idx %arg9[%parallel_loop3A_913], %broadcast_in_dim3A_708 {add = true} : memref<32768xf32, #tpu.memory_space<vmem>>[vector<16xi32>], vector<16xf32>,
        tpu.vector_store_idx %arg9[%parallel_loop3A_917], %broadcast_in_dim3A_708 {add = true} : memref<32768xf32, #tpu.memory_space<vmem>>[vector<16xi32>], vector<16xf32>,
        tpu.vector_store_idx %arg9[%parallel_loop3A_921], %broadcast_in_dim3A_708 {add = true} : memref<32768xf32, #tpu.memory_space<vmem>>[vector<16xi32>], vector<16xf32>,
      } {sc.loop_unroll_factor = 1 : i64, sc.parallel_access}
      %scan3A_792 = arith.constant 0 : i32
      scf.yield %scan3A_792 : i32
    }
    %scan3A_729 = arith.constant 16 : i32
    %scan3A_730 = arith.constant 0 : i32
    %scan3A_731 = arith.constant 0 : i32
    %scan3A_732 = arith.constant 128 : i32
    %scan3A_733 = arith.addi %scan3A_731, %scan3A_732 : i32
    %scan3A_734 = arith.constant 1 : i32
    %scan3A_735 = scf.for %scan3A_737 = %scan3A_731 to %scan3A_733 step %scan3A_734 iter_args(%scan3A_738 = %scan3A_730) -> (i32)  : i32 {
      %broadcast_in_dim3A_739 = arith.constant 0.000000e+00 : f32
      %broadcast_in_dim3A_740 = vector.broadcast %broadcast_in_dim3A_739 : f32 to vector<16xf32>
      %mul3A_741 = arith.constant 16 : i32
      %mul3A_742 = arith.muli %scan3A_737, %mul3A_741 : i32
      %add3A_743 = arith.constant 0 : i32
      %add3A_744 = arith.addi %mul3A_742, %add3A_743 : i32
      %mul3A_745 = arith.constant 16 : i32
      %mul3A_746 = arith.muli %add3A_744, %mul3A_745 : i32
      %get3A_747 = arith.index_cast %mul3A_746 : i32 to index
      %get3A_748 = tpu.vector_load %arg9[%get3A_747] {strides = array<i32>} : memref<32768xf32, #tpu.memory_space<vmem>>, vector<16xf32>,
      %broadcast_in_dim3A_749 = vector.shape_cast %xor3A_639 : vector<16xi32> to vector<16x1xi32>
      %gather3A_750 = vector.shape_cast %broadcast_in_dim3A_749 : vector<16x1xi32> to vector<16xi32>
      %gather3A_751 = tpu.dynamic_gather %get3A_748[%gather3A_750] in [0] : vector<16xf32>, vector<16xi32> -> vector<16xf32>
      %add3A_752 = arith.addf %get3A_748, %gather3A_751 : vector<16xf32>
      %broadcast_in_dim3A_753 = vector.shape_cast %xor3A_642 : vector<16xi32> to vector<16x1xi32>
      %gather3A_754 = vector.shape_cast %broadcast_in_dim3A_753 : vector<16x1xi32> to vector<16xi32>
      %gather3A_755 = tpu.dynamic_gather %add3A_752[%gather3A_754] in [0] : vector<16xf32>, vector<16xi32> -> vector<16xf32>
      %add3A_756 = arith.addf %add3A_752, %gather3A_755 : vector<16xf32>
      %broadcast_in_dim3A_757 = vector.shape_cast %xor3A_645 : vector<16xi32> to vector<16x1xi32>
      %gather3A_758 = vector.shape_cast %broadcast_in_dim3A_757 : vector<16x1xi32> to vector<16xi32>
      %gather3A_759 = tpu.dynamic_gather %add3A_756[%gather3A_758] in [0] : vector<16xf32>, vector<16xi32> -> vector<16xf32>
      %add3A_760 = arith.addf %add3A_756, %gather3A_759 : vector<16xf32>
      %broadcast_in_dim3A_761 = vector.shape_cast %xor3A_648 : vector<16xi32> to vector<16x1xi32>
      %gather3A_762 = vector.shape_cast %broadcast_in_dim3A_761 : vector<16x1xi32> to vector<16xi32>
      %gather3A_763 = tpu.dynamic_gather %add3A_760[%gather3A_762] in [0] : vector<16xf32>, vector<16xi32> -> vector<16xf32>
      %add3A_764 = arith.addf %add3A_760, %gather3A_763 : vector<16xf32>
      %eq3A = arith.constant 0 : i32
      %eq3A_765 = vector.broadcast %eq3A : i32 to vector<16xi32>
      %eq3A_766 = arith.cmpi eq, %iota3A, %eq3A_765 : vector<16xi32>
      %select_n3A = arith.select %eq3A_766, %add3A_764, %broadcast_in_dim3A_740 : vector<16xi1>, vector<16xf32>
      %mul3A_767 = arith.constant 16 : i32
      %mul3A_768 = arith.muli %scan3A_737, %mul3A_767 : i32
      %add3A_769 = arith.constant 1 : i32
      %add3A_770 = arith.addi %mul3A_768, %add3A_769 : i32
      %mul3A_771 = arith.constant 16 : i32
      %mul3A_772 = arith.muli %add3A_770, %mul3A_771 : i32
      %get3A_773 = arith.index_cast %mul3A_772 : i32 to index
      %get3A_774 = tpu.vector_load %arg9[%get3A_773] {strides = array<i32>} : memref<32768xf32, #tpu.memory_space<vmem>>, vector<16xf32>,
      %broadcast_in_dim3A_775 = vector.shape_cast %xor3A_639 : vector<16xi32> to vector<16x1xi32>
      %gather3A_776 = vector.shape_cast %broadcast_in_dim3A_775 : vector<16x1xi32> to vector<16xi32>
      %gather3A_777 = tpu.dynamic_gather %get3A_774[%gather3A_776] in [0] : vector<16xf32>, vector<16xi32> -> vector<16xf32>
      %add3A_778 = arith.addf %get3A_774, %gather3A_777 : vector<16xf32>
      %broadcast_in_dim3A_779 = vector.shape_cast %xor3A_642 : vector<16xi32> to vector<16x1xi32>
      %gather3A_780 = vector.shape_cast %broadcast_in_dim3A_779 : vector<16x1xi32> to vector<16xi32>
      %gather3A_781 = tpu.dynamic_gather %add3A_778[%gather3A_780] in [0] : vector<16xf32>, vector<16xi32> -> vector<16xf32>
      %add3A_782 = arith.addf %add3A_778, %gather3A_781 : vector<16xf32>
      %broadcast_in_dim3A_783 = vector.shape_cast %xor3A_645 : vector<16xi32> to vector<16x1xi32>
      %gather3A_784 = vector.shape_cast %broadcast_in_dim3A_783 : vector<16x1xi32> to vector<16xi32>
      %gather3A_785 = tpu.dynamic_gather %add3A_782[%gather3A_784] in [0] : vector<16xf32>, vector<16xi32> -> vector<16xf32>
      %add3A_786 = arith.addf %add3A_782, %gather3A_785 : vector<16xf32>
      %broadcast_in_dim3A_787 = vector.shape_cast %xor3A_648 : vector<16xi32> to vector<16x1xi32>
      %gather3A_788 = vector.shape_cast %broadcast_in_dim3A_787 : vector<16x1xi32> to vector<16xi32>
      %gather3A_789 = tpu.dynamic_gather %add3A_786[%gather3A_788] in [0] : vector<16xf32>, vector<16xi32> -> vector<16xf32>
      %add3A_790 = arith.addf %add3A_786, %gather3A_789 : vector<16xf32>
      %eq3A_791 = arith.constant 1 : i32
      %eq3A_792 = vector.broadcast %eq3A_791 : i32 to vector<16xi32>
      %eq3A_793 = arith.cmpi eq, %iota3A, %eq3A_792 : vector<16xi32>
      %select_n3A_794 = arith.select %eq3A_793, %add3A_790, %select_n3A : vector<16xi1>, vector<16xf32>
      %mul3A_795 = arith.constant 16 : i32
      %mul3A_796 = arith.muli %scan3A_737, %mul3A_795 : i32
      %add3A_797 = arith.constant 2 : i32
      %add3A_798 = arith.addi %mul3A_796, %add3A_797 : i32
      %mul3A_799 = arith.constant 16 : i32
      %mul3A_800 = arith.muli %add3A_798, %mul3A_799 : i32
      %get3A_801 = arith.index_cast %mul3A_800 : i32 to index
      %get3A_802 = tpu.vector_load %arg9[%get3A_801] {strides = array<i32>} : memref<32768xf32, #tpu.memory_space<vmem>>, vector<16xf32>,
      %broadcast_in_dim3A_803 = vector.shape_cast %xor3A_639 : vector<16xi32> to vector<16x1xi32>
      %gather3A_804 = vector.shape_cast %broadcast_in_dim3A_803 : vector<16x1xi32> to vector<16xi32>
      %gather3A_805 = tpu.dynamic_gather %get3A_802[%gather3A_804] in [0] : vector<16xf32>, vector<16xi32> -> vector<16xf32>
      %add3A_806 = arith.addf %get3A_802, %gather3A_805 : vector<16xf32>
      %broadcast_in_dim3A_807 = vector.shape_cast %xor3A_642 : vector<16xi32> to vector<16x1xi32>
      %gather3A_808 = vector.shape_cast %broadcast_in_dim3A_807 : vector<16x1xi32> to vector<16xi32>
      %gather3A_809 = tpu.dynamic_gather %add3A_806[%gather3A_808] in [0] : vector<16xf32>, vector<16xi32> -> vector<16xf32>
      %add3A_810 = arith.addf %add3A_806, %gather3A_809 : vector<16xf32>
      %broadcast_in_dim3A_811 = vector.shape_cast %xor3A_645 : vector<16xi32> to vector<16x1xi32>
      %gather3A_812 = vector.shape_cast %broadcast_in_dim3A_811 : vector<16x1xi32> to vector<16xi32>
      %gather3A_813 = tpu.dynamic_gather %add3A_810[%gather3A_812] in [0] : vector<16xf32>, vector<16xi32> -> vector<16xf32>
      %add3A_814 = arith.addf %add3A_810, %gather3A_813 : vector<16xf32>
      %broadcast_in_dim3A_815 = vector.shape_cast %xor3A_648 : vector<16xi32> to vector<16x1xi32>
      %gather3A_816 = vector.shape_cast %broadcast_in_dim3A_815 : vector<16x1xi32> to vector<16xi32>
      %gather3A_817 = tpu.dynamic_gather %add3A_814[%gather3A_816] in [0] : vector<16xf32>, vector<16xi32> -> vector<16xf32>
      %add3A_818 = arith.addf %add3A_814, %gather3A_817 : vector<16xf32>
      %eq3A_819 = arith.constant 2 : i32
      %eq3A_820 = vector.broadcast %eq3A_819 : i32 to vector<16xi32>
      %eq3A_821 = arith.cmpi eq, %iota3A, %eq3A_820 : vector<16xi32>
      %select_n3A_822 = arith.select %eq3A_821, %add3A_818, %select_n3A_794 : vector<16xi1>, vector<16xf32>
      %mul3A_823 = arith.constant 16 : i32
      %mul3A_824 = arith.muli %scan3A_737, %mul3A_823 : i32
      %add3A_825 = arith.constant 3 : i32
      %add3A_826 = arith.addi %mul3A_824, %add3A_825 : i32
      %mul3A_827 = arith.constant 16 : i32
      %mul3A_828 = arith.muli %add3A_826, %mul3A_827 : i32
      %get3A_829 = arith.index_cast %mul3A_828 : i32 to index
      %get3A_830 = tpu.vector_load %arg9[%get3A_829] {strides = array<i32>} : memref<32768xf32, #tpu.memory_space<vmem>>, vector<16xf32>,
      %broadcast_in_dim3A_831 = vector.shape_cast %xor3A_639 : vector<16xi32> to vector<16x1xi32>
      %gather3A_832 = vector.shape_cast %broadcast_in_dim3A_831 : vector<16x1xi32> to vector<16xi32>
      %gather3A_833 = tpu.dynamic_gather %get3A_830[%gather3A_832] in [0] : vector<16xf32>, vector<16xi32> -> vector<16xf32>
      %add3A_834 = arith.addf %get3A_830, %gather3A_833 : vector<16xf32>
      %broadcast_in_dim3A_835 = vector.shape_cast %xor3A_642 : vector<16xi32> to vector<16x1xi32>
      %gather3A_836 = vector.shape_cast %broadcast_in_dim3A_835 : vector<16x1xi32> to vector<16xi32>
      %gather3A_837 = tpu.dynamic_gather %add3A_834[%gather3A_836] in [0] : vector<16xf32>, vector<16xi32> -> vector<16xf32>
      %add3A_838 = arith.addf %add3A_834, %gather3A_837 : vector<16xf32>
      %broadcast_in_dim3A_839 = vector.shape_cast %xor3A_645 : vector<16xi32> to vector<16x1xi32>
      %gather3A_840 = vector.shape_cast %broadcast_in_dim3A_839 : vector<16x1xi32> to vector<16xi32>
      %gather3A_841 = tpu.dynamic_gather %add3A_838[%gather3A_840] in [0] : vector<16xf32>, vector<16xi32> -> vector<16xf32>
      %add3A_842 = arith.addf %add3A_838, %gather3A_841 : vector<16xf32>
      %broadcast_in_dim3A_843 = vector.shape_cast %xor3A_648 : vector<16xi32> to vector<16x1xi32>
      %gather3A_844 = vector.shape_cast %broadcast_in_dim3A_843 : vector<16x1xi32> to vector<16xi32>
      %gather3A_845 = tpu.dynamic_gather %add3A_842[%gather3A_844] in [0] : vector<16xf32>, vector<16xi32> -> vector<16xf32>
      %add3A_846 = arith.addf %add3A_842, %gather3A_845 : vector<16xf32>
      %eq3A_847 = arith.constant 3 : i32
      %eq3A_848 = vector.broadcast %eq3A_847 : i32 to vector<16xi32>
      %eq3A_849 = arith.cmpi eq, %iota3A, %eq3A_848 : vector<16xi32>
      %select_n3A_850 = arith.select %eq3A_849, %add3A_846, %select_n3A_822 : vector<16xi1>, vector<16xf32>
      %mul3A_851 = arith.constant 16 : i32
      %mul3A_852 = arith.muli %scan3A_737, %mul3A_851 : i32
      %add3A_853 = arith.constant 4 : i32
      %add3A_854 = arith.addi %mul3A_852, %add3A_853 : i32
      %mul3A_855 = arith.constant 16 : i32
      %mul3A_856 = arith.muli %add3A_854, %mul3A_855 : i32
      %get3A_857 = arith.index_cast %mul3A_856 : i32 to index
      %get3A_858 = tpu.vector_load %arg9[%get3A_857] {strides = array<i32>} : memref<32768xf32, #tpu.memory_space<vmem>>, vector<16xf32>,
      %broadcast_in_dim3A_859 = vector.shape_cast %xor3A_639 : vector<16xi32> to vector<16x1xi32>
      %gather3A_860 = vector.shape_cast %broadcast_in_dim3A_859 : vector<16x1xi32> to vector<16xi32>
      %gather3A_861 = tpu.dynamic_gather %get3A_858[%gather3A_860] in [0] : vector<16xf32>, vector<16xi32> -> vector<16xf32>
      %add3A_862 = arith.addf %get3A_858, %gather3A_861 : vector<16xf32>
      %broadcast_in_dim3A_863 = vector.shape_cast %xor3A_642 : vector<16xi32> to vector<16x1xi32>
      %gather3A_864 = vector.shape_cast %broadcast_in_dim3A_863 : vector<16x1xi32> to vector<16xi32>
      %gather3A_865 = tpu.dynamic_gather %add3A_862[%gather3A_864] in [0] : vector<16xf32>, vector<16xi32> -> vector<16xf32>
      %add3A_866 = arith.addf %add3A_862, %gather3A_865 : vector<16xf32>
      %broadcast_in_dim3A_867 = vector.shape_cast %xor3A_645 : vector<16xi32> to vector<16x1xi32>
      %gather3A_868 = vector.shape_cast %broadcast_in_dim3A_867 : vector<16x1xi32> to vector<16xi32>
      %gather3A_869 = tpu.dynamic_gather %add3A_866[%gather3A_868] in [0] : vector<16xf32>, vector<16xi32> -> vector<16xf32>
      %add3A_870 = arith.addf %add3A_866, %gather3A_869 : vector<16xf32>
      %broadcast_in_dim3A_871 = vector.shape_cast %xor3A_648 : vector<16xi32> to vector<16x1xi32>
      %gather3A_872 = vector.shape_cast %broadcast_in_dim3A_871 : vector<16x1xi32> to vector<16xi32>
      %gather3A_873 = tpu.dynamic_gather %add3A_870[%gather3A_872] in [0] : vector<16xf32>, vector<16xi32> -> vector<16xf32>
      %add3A_874 = arith.addf %add3A_870, %gather3A_873 : vector<16xf32>
      %eq3A_875 = arith.constant 4 : i32
      %eq3A_876 = vector.broadcast %eq3A_875 : i32 to vector<16xi32>
      %eq3A_877 = arith.cmpi eq, %iota3A, %eq3A_876 : vector<16xi32>
      %select_n3A_878 = arith.select %eq3A_877, %add3A_874, %select_n3A_850 : vector<16xi1>, vector<16xf32>
      %mul3A_879 = arith.constant 16 : i32
      %mul3A_880 = arith.muli %scan3A_737, %mul3A_879 : i32
      %add3A_881 = arith.constant 5 : i32
      %add3A_882 = arith.addi %mul3A_880, %add3A_881 : i32
      %mul3A_883 = arith.constant 16 : i32
      %mul3A_884 = arith.muli %add3A_882, %mul3A_883 : i32
      %get3A_885 = arith.index_cast %mul3A_884 : i32 to index
      %get3A_886 = tpu.vector_load %arg9[%get3A_885] {strides = array<i32>} : memref<32768xf32, #tpu.memory_space<vmem>>, vector<16xf32>,
      %broadcast_in_dim3A_887 = vector.shape_cast %xor3A_639 : vector<16xi32> to vector<16x1xi32>
      %gather3A_888 = vector.shape_cast %broadcast_in_dim3A_887 : vector<16x1xi32> to vector<16xi32>
      %gather3A_889 = tpu.dynamic_gather %get3A_886[%gather3A_888] in [0] : vector<16xf32>, vector<16xi32> -> vector<16xf32>
      %add3A_890 = arith.addf %get3A_886, %gather3A_889 : vector<16xf32>
      %broadcast_in_dim3A_891 = vector.shape_cast %xor3A_642 : vector<16xi32> to vector<16x1xi32>
      %gather3A_892 = vector.shape_cast %broadcast_in_dim3A_891 : vector<16x1xi32> to vector<16xi32>
      %gather3A_893 = tpu.dynamic_gather %add3A_890[%gather3A_892] in [0] : vector<16xf32>, vector<16xi32> -> vector<16xf32>
      %add3A_894 = arith.addf %add3A_890, %gather3A_893 : vector<16xf32>
      %broadcast_in_dim3A_895 = vector.shape_cast %xor3A_645 : vector<16xi32> to vector<16x1xi32>
      %gather3A_896 = vector.shape_cast %broadcast_in_dim3A_895 : vector<16x1xi32> to vector<16xi32>
      %gather3A_897 = tpu.dynamic_gather %add3A_894[%gather3A_896] in [0] : vector<16xf32>, vector<16xi32> -> vector<16xf32>
      %add3A_898 = arith.addf %add3A_894, %gather3A_897 : vector<16xf32>
      %broadcast_in_dim3A_899 = vector.shape_cast %xor3A_648 : vector<16xi32> to vector<16x1xi32>
      %gather3A_900 = vector.shape_cast %broadcast_in_dim3A_899 : vector<16x1xi32> to vector<16xi32>
      %gather3A_901 = tpu.dynamic_gather %add3A_898[%gather3A_900] in [0] : vector<16xf32>, vector<16xi32> -> vector<16xf32>
      %add3A_902 = arith.addf %add3A_898, %gather3A_901 : vector<16xf32>
      %eq3A_903 = arith.constant 5 : i32
      %eq3A_904 = vector.broadcast %eq3A_903 : i32 to vector<16xi32>
      %eq3A_905 = arith.cmpi eq, %iota3A, %eq3A_904 : vector<16xi32>
      %select_n3A_906 = arith.select %eq3A_905, %add3A_902, %select_n3A_878 : vector<16xi1>, vector<16xf32>
      %mul3A_907 = arith.constant 16 : i32
      %mul3A_908 = arith.muli %scan3A_737, %mul3A_907 : i32
      %add3A_909 = arith.constant 6 : i32
      %add3A_910 = arith.addi %mul3A_908, %add3A_909 : i32
      %mul3A_911 = arith.constant 16 : i32
      %mul3A_912 = arith.muli %add3A_910, %mul3A_911 : i32
      %get3A_913 = arith.index_cast %mul3A_912 : i32 to index
      %get3A_914 = tpu.vector_load %arg9[%get3A_913] {strides = array<i32>} : memref<32768xf32, #tpu.memory_space<vmem>>, vector<16xf32>,
      %broadcast_in_dim3A_915 = vector.shape_cast %xor3A_639 : vector<16xi32> to vector<16x1xi32>
      %gather3A_916 = vector.shape_cast %broadcast_in_dim3A_915 : vector<16x1xi32> to vector<16xi32>
      %gather3A_917 = tpu.dynamic_gather %get3A_914[%gather3A_916] in [0] : vector<16xf32>, vector<16xi32> -> vector<16xf32>
      %add3A_918 = arith.addf %get3A_914, %gather3A_917 : vector<16xf32>
      %broadcast_in_dim3A_919 = vector.shape_cast %xor3A_642 : vector<16xi32> to vector<16x1xi32>
      %gather3A_920 = vector.shape_cast %broadcast_in_dim3A_919 : vector<16x1xi32> to vector<16xi32>
      %gather3A_921 = tpu.dynamic_gather %add3A_918[%gather3A_920] in [0] : vector<16xf32>, vector<16xi32> -> vector<16xf32>
      %add3A_922 = arith.addf %add3A_918, %gather3A_921 : vector<16xf32>
      %broadcast_in_dim3A_923 = vector.shape_cast %xor3A_645 : vector<16xi32> to vector<16x1xi32>
      %gather3A_924 = vector.shape_cast %broadcast_in_dim3A_923 : vector<16x1xi32> to vector<16xi32>
      %gather3A_925 = tpu.dynamic_gather %add3A_922[%gather3A_924] in [0] : vector<16xf32>, vector<16xi32> -> vector<16xf32>
      %add3A_926 = arith.addf %add3A_922, %gather3A_925 : vector<16xf32>
      %broadcast_in_dim3A_927 = vector.shape_cast %xor3A_648 : vector<16xi32> to vector<16x1xi32>
      %gather3A_928 = vector.shape_cast %broadcast_in_dim3A_927 : vector<16x1xi32> to vector<16xi32>
      %gather3A_929 = tpu.dynamic_gather %add3A_926[%gather3A_928] in [0] : vector<16xf32>, vector<16xi32> -> vector<16xf32>
      %add3A_930 = arith.addf %add3A_926, %gather3A_929 : vector<16xf32>
      %eq3A_931 = arith.constant 6 : i32
      %eq3A_932 = vector.broadcast %eq3A_931 : i32 to vector<16xi32>
      %eq3A_933 = arith.cmpi eq, %iota3A, %eq3A_932 : vector<16xi32>
      %select_n3A_934 = arith.select %eq3A_933, %add3A_930, %select_n3A_906 : vector<16xi1>, vector<16xf32>
      %mul3A_935 = arith.constant 16 : i32
      %mul3A_936 = arith.muli %scan3A_737, %mul3A_935 : i32
      %add3A_937 = arith.constant 7 : i32
      %add3A_938 = arith.addi %mul3A_936, %add3A_937 : i32
      %mul3A_939 = arith.constant 16 : i32
      %mul3A_940 = arith.muli %add3A_938, %mul3A_939 : i32
      %get3A_941 = arith.index_cast %mul3A_940 : i32 to index
      %get3A_942 = tpu.vector_load %arg9[%get3A_941] {strides = array<i32>} : memref<32768xf32, #tpu.memory_space<vmem>>, vector<16xf32>,
      %broadcast_in_dim3A_943 = vector.shape_cast %xor3A_639 : vector<16xi32> to vector<16x1xi32>
      %gather3A_944 = vector.shape_cast %broadcast_in_dim3A_943 : vector<16x1xi32> to vector<16xi32>
      %gather3A_945 = tpu.dynamic_gather %get3A_942[%gather3A_944] in [0] : vector<16xf32>, vector<16xi32> -> vector<16xf32>
      %add3A_946 = arith.addf %get3A_942, %gather3A_945 : vector<16xf32>
      %broadcast_in_dim3A_947 = vector.shape_cast %xor3A_642 : vector<16xi32> to vector<16x1xi32>
      %gather3A_948 = vector.shape_cast %broadcast_in_dim3A_947 : vector<16x1xi32> to vector<16xi32>
      %gather3A_949 = tpu.dynamic_gather %add3A_946[%gather3A_948] in [0] : vector<16xf32>, vector<16xi32> -> vector<16xf32>
      %add3A_950 = arith.addf %add3A_946, %gather3A_949 : vector<16xf32>
      %broadcast_in_dim3A_951 = vector.shape_cast %xor3A_645 : vector<16xi32> to vector<16x1xi32>
      %gather3A_952 = vector.shape_cast %broadcast_in_dim3A_951 : vector<16x1xi32> to vector<16xi32>
      %gather3A_953 = tpu.dynamic_gather %add3A_950[%gather3A_952] in [0] : vector<16xf32>, vector<16xi32> -> vector<16xf32>
      %add3A_954 = arith.addf %add3A_950, %gather3A_953 : vector<16xf32>
      %broadcast_in_dim3A_955 = vector.shape_cast %xor3A_648 : vector<16xi32> to vector<16x1xi32>
      %gather3A_956 = vector.shape_cast %broadcast_in_dim3A_955 : vector<16x1xi32> to vector<16xi32>
      %gather3A_957 = tpu.dynamic_gather %add3A_954[%gather3A_956] in [0] : vector<16xf32>, vector<16xi32> -> vector<16xf32>
      %add3A_958 = arith.addf %add3A_954, %gather3A_957 : vector<16xf32>
      %eq3A_959 = arith.constant 7 : i32
      %eq3A_960 = vector.broadcast %eq3A_959 : i32 to vector<16xi32>
      %eq3A_961 = arith.cmpi eq, %iota3A, %eq3A_960 : vector<16xi32>
      %select_n3A_962 = arith.select %eq3A_961, %add3A_958, %select_n3A_934 : vector<16xi1>, vector<16xf32>
      %mul3A_963 = arith.constant 16 : i32
      %mul3A_964 = arith.muli %scan3A_737, %mul3A_963 : i32
      %add3A_965 = arith.constant 8 : i32
      %add3A_966 = arith.addi %mul3A_964, %add3A_965 : i32
      %mul3A_967 = arith.constant 16 : i32
      %mul3A_968 = arith.muli %add3A_966, %mul3A_967 : i32
      %get3A_969 = arith.index_cast %mul3A_968 : i32 to index
      %get3A_970 = tpu.vector_load %arg9[%get3A_969] {strides = array<i32>} : memref<32768xf32, #tpu.memory_space<vmem>>, vector<16xf32>,
      %broadcast_in_dim3A_971 = vector.shape_cast %xor3A_639 : vector<16xi32> to vector<16x1xi32>
      %gather3A_972 = vector.shape_cast %broadcast_in_dim3A_971 : vector<16x1xi32> to vector<16xi32>
      %gather3A_973 = tpu.dynamic_gather %get3A_970[%gather3A_972] in [0] : vector<16xf32>, vector<16xi32> -> vector<16xf32>
      %add3A_974 = arith.addf %get3A_970, %gather3A_973 : vector<16xf32>
      %broadcast_in_dim3A_975 = vector.shape_cast %xor3A_642 : vector<16xi32> to vector<16x1xi32>
      %gather3A_976 = vector.shape_cast %broadcast_in_dim3A_975 : vector<16x1xi32> to vector<16xi32>
      %gather3A_977 = tpu.dynamic_gather %add3A_974[%gather3A_976] in [0] : vector<16xf32>, vector<16xi32> -> vector<16xf32>
      %add3A_978 = arith.addf %add3A_974, %gather3A_977 : vector<16xf32>
      %broadcast_in_dim3A_979 = vector.shape_cast %xor3A_645 : vector<16xi32> to vector<16x1xi32>
      %gather3A_980 = vector.shape_cast %broadcast_in_dim3A_979 : vector<16x1xi32> to vector<16xi32>
      %gather3A_981 = tpu.dynamic_gather %add3A_978[%gather3A_980] in [0] : vector<16xf32>, vector<16xi32> -> vector<16xf32>
      %add3A_982 = arith.addf %add3A_978, %gather3A_981 : vector<16xf32>
      %broadcast_in_dim3A_983 = vector.shape_cast %xor3A_648 : vector<16xi32> to vector<16x1xi32>
      %gather3A_984 = vector.shape_cast %broadcast_in_dim3A_983 : vector<16x1xi32> to vector<16xi32>
      %gather3A_985 = tpu.dynamic_gather %add3A_982[%gather3A_984] in [0] : vector<16xf32>, vector<16xi32> -> vector<16xf32>
      %add3A_986 = arith.addf %add3A_982, %gather3A_985 : vector<16xf32>
      %eq3A_987 = arith.constant 8 : i32
      %eq3A_988 = vector.broadcast %eq3A_987 : i32 to vector<16xi32>
      %eq3A_989 = arith.cmpi eq, %iota3A, %eq3A_988 : vector<16xi32>
      %select_n3A_990 = arith.select %eq3A_989, %add3A_986, %select_n3A_962 : vector<16xi1>, vector<16xf32>
      %mul3A_991 = arith.constant 16 : i32
      %mul3A_992 = arith.muli %scan3A_737, %mul3A_991 : i32
      %add3A_993 = arith.constant 9 : i32
      %add3A_994 = arith.addi %mul3A_992, %add3A_993 : i32
      %mul3A_995 = arith.constant 16 : i32
      %mul3A_996 = arith.muli %add3A_994, %mul3A_995 : i32
      %get3A_997 = arith.index_cast %mul3A_996 : i32 to index
      %get3A_998 = tpu.vector_load %arg9[%get3A_997] {strides = array<i32>} : memref<32768xf32, #tpu.memory_space<vmem>>, vector<16xf32>,
      %broadcast_in_dim3A_999 = vector.shape_cast %xor3A_639 : vector<16xi32> to vector<16x1xi32>
      %gather3A_1000 = vector.shape_cast %broadcast_in_dim3A_999 : vector<16x1xi32> to vector<16xi32>
      %gather3A_1001 = tpu.dynamic_gather %get3A_998[%gather3A_1000] in [0] : vector<16xf32>, vector<16xi32> -> vector<16xf32>
      %add3A_1002 = arith.addf %get3A_998, %gather3A_1001 : vector<16xf32>
      %broadcast_in_dim3A_1003 = vector.shape_cast %xor3A_642 : vector<16xi32> to vector<16x1xi32>
      %gather3A_1004 = vector.shape_cast %broadcast_in_dim3A_1003 : vector<16x1xi32> to vector<16xi32>
      %gather3A_1005 = tpu.dynamic_gather %add3A_1002[%gather3A_1004] in [0] : vector<16xf32>, vector<16xi32> -> vector<16xf32>
      %add3A_1006 = arith.addf %add3A_1002, %gather3A_1005 : vector<16xf32>
      %broadcast_in_dim3A_1007 = vector.shape_cast %xor3A_645 : vector<16xi32> to vector<16x1xi32>
      %gather3A_1008 = vector.shape_cast %broadcast_in_dim3A_1007 : vector<16x1xi32> to vector<16xi32>
      %gather3A_1009 = tpu.dynamic_gather %add3A_1006[%gather3A_1008] in [0] : vector<16xf32>, vector<16xi32> -> vector<16xf32>
      %add3A_1010 = arith.addf %add3A_1006, %gather3A_1009 : vector<16xf32>
      %broadcast_in_dim3A_1011 = vector.shape_cast %xor3A_648 : vector<16xi32> to vector<16x1xi32>
      %gather3A_1012 = vector.shape_cast %broadcast_in_dim3A_1011 : vector<16x1xi32> to vector<16xi32>
      %gather3A_1013 = tpu.dynamic_gather %add3A_1010[%gather3A_1012] in [0] : vector<16xf32>, vector<16xi32> -> vector<16xf32>
      %add3A_1014 = arith.addf %add3A_1010, %gather3A_1013 : vector<16xf32>
      %eq3A_1015 = arith.constant 9 : i32
      %eq3A_1016 = vector.broadcast %eq3A_1015 : i32 to vector<16xi32>
      %eq3A_1017 = arith.cmpi eq, %iota3A, %eq3A_1016 : vector<16xi32>
      %select_n3A_1018 = arith.select %eq3A_1017, %add3A_1014, %select_n3A_990 : vector<16xi1>, vector<16xf32>
      %mul3A_1019 = arith.constant 16 : i32
      %mul3A_1020 = arith.muli %scan3A_737, %mul3A_1019 : i32
      %add3A_1021 = arith.constant 10 : i32
      %add3A_1022 = arith.addi %mul3A_1020, %add3A_1021 : i32
      %mul3A_1023 = arith.constant 16 : i32
      %mul3A_1024 = arith.muli %add3A_1022, %mul3A_1023 : i32
      %get3A_1025 = arith.index_cast %mul3A_1024 : i32 to index
      %get3A_1026 = tpu.vector_load %arg9[%get3A_1025] {strides = array<i32>} : memref<32768xf32, #tpu.memory_space<vmem>>, vector<16xf32>,
      %broadcast_in_dim3A_1027 = vector.shape_cast %xor3A_639 : vector<16xi32> to vector<16x1xi32>
      %gather3A_1028 = vector.shape_cast %broadcast_in_dim3A_1027 : vector<16x1xi32> to vector<16xi32>
      %gather3A_1029 = tpu.dynamic_gather %get3A_1026[%gather3A_1028] in [0] : vector<16xf32>, vector<16xi32> -> vector<16xf32>
      %add3A_1030 = arith.addf %get3A_1026, %gather3A_1029 : vector<16xf32>
      %broadcast_in_dim3A_1031 = vector.shape_cast %xor3A_642 : vector<16xi32> to vector<16x1xi32>
      %gather3A_1032 = vector.shape_cast %broadcast_in_dim3A_1031 : vector<16x1xi32> to vector<16xi32>
      %gather3A_1033 = tpu.dynamic_gather %add3A_1030[%gather3A_1032] in [0] : vector<16xf32>, vector<16xi32> -> vector<16xf32>
      %add3A_1034 = arith.addf %add3A_1030, %gather3A_1033 : vector<16xf32>
      %broadcast_in_dim3A_1035 = vector.shape_cast %xor3A_645 : vector<16xi32> to vector<16x1xi32>
      %gather3A_1036 = vector.shape_cast %broadcast_in_dim3A_1035 : vector<16x1xi32> to vector<16xi32>
      %gather3A_1037 = tpu.dynamic_gather %add3A_1034[%gather3A_1036] in [0] : vector<16xf32>, vector<16xi32> -> vector<16xf32>
      %add3A_1038 = arith.addf %add3A_1034, %gather3A_1037 : vector<16xf32>
      %broadcast_in_dim3A_1039 = vector.shape_cast %xor3A_648 : vector<16xi32> to vector<16x1xi32>
      %gather3A_1040 = vector.shape_cast %broadcast_in_dim3A_1039 : vector<16x1xi32> to vector<16xi32>
      %gather3A_1041 = tpu.dynamic_gather %add3A_1038[%gather3A_1040] in [0] : vector<16xf32>, vector<16xi32> -> vector<16xf32>
      %add3A_1042 = arith.addf %add3A_1038, %gather3A_1041 : vector<16xf32>
      %eq3A_1043 = arith.constant 10 : i32
      %eq3A_1044 = vector.broadcast %eq3A_1043 : i32 to vector<16xi32>
      %eq3A_1045 = arith.cmpi eq, %iota3A, %eq3A_1044 : vector<16xi32>
      %select_n3A_1046 = arith.select %eq3A_1045, %add3A_1042, %select_n3A_1018 : vector<16xi1>, vector<16xf32>
      %mul3A_1047 = arith.constant 16 : i32
      %mul3A_1048 = arith.muli %scan3A_737, %mul3A_1047 : i32
      %add3A_1049 = arith.constant 11 : i32
      %add3A_1050 = arith.addi %mul3A_1048, %add3A_1049 : i32
      %mul3A_1051 = arith.constant 16 : i32
      %mul3A_1052 = arith.muli %add3A_1050, %mul3A_1051 : i32
      %get3A_1053 = arith.index_cast %mul3A_1052 : i32 to index
      %get3A_1054 = tpu.vector_load %arg9[%get3A_1053] {strides = array<i32>} : memref<32768xf32, #tpu.memory_space<vmem>>, vector<16xf32>,
      %broadcast_in_dim3A_1055 = vector.shape_cast %xor3A_639 : vector<16xi32> to vector<16x1xi32>
      %gather3A_1056 = vector.shape_cast %broadcast_in_dim3A_1055 : vector<16x1xi32> to vector<16xi32>
      %gather3A_1057 = tpu.dynamic_gather %get3A_1054[%gather3A_1056] in [0] : vector<16xf32>, vector<16xi32> -> vector<16xf32>
      %add3A_1058 = arith.addf %get3A_1054, %gather3A_1057 : vector<16xf32>
      %broadcast_in_dim3A_1059 = vector.shape_cast %xor3A_642 : vector<16xi32> to vector<16x1xi32>
      %gather3A_1060 = vector.shape_cast %broadcast_in_dim3A_1059 : vector<16x1xi32> to vector<16xi32>
      %gather3A_1061 = tpu.dynamic_gather %add3A_1058[%gather3A_1060] in [0] : vector<16xf32>, vector<16xi32> -> vector<16xf32>
      %add3A_1062 = arith.addf %add3A_1058, %gather3A_1061 : vector<16xf32>
      %broadcast_in_dim3A_1063 = vector.shape_cast %xor3A_645 : vector<16xi32> to vector<16x1xi32>
      %gather3A_1064 = vector.shape_cast %broadcast_in_dim3A_1063 : vector<16x1xi32> to vector<16xi32>
      %gather3A_1065 = tpu.dynamic_gather %add3A_1062[%gather3A_1064] in [0] : vector<16xf32>, vector<16xi32> -> vector<16xf32>
      %add3A_1066 = arith.addf %add3A_1062, %gather3A_1065 : vector<16xf32>
      %broadcast_in_dim3A_1067 = vector.shape_cast %xor3A_648 : vector<16xi32> to vector<16x1xi32>
      %gather3A_1068 = vector.shape_cast %broadcast_in_dim3A_1067 : vector<16x1xi32> to vector<16xi32>
      %gather3A_1069 = tpu.dynamic_gather %add3A_1066[%gather3A_1068] in [0] : vector<16xf32>, vector<16xi32> -> vector<16xf32>
      %add3A_1070 = arith.addf %add3A_1066, %gather3A_1069 : vector<16xf32>
      %eq3A_1071 = arith.constant 11 : i32
      %eq3A_1072 = vector.broadcast %eq3A_1071 : i32 to vector<16xi32>
      %eq3A_1073 = arith.cmpi eq, %iota3A, %eq3A_1072 : vector<16xi32>
      %select_n3A_1074 = arith.select %eq3A_1073, %add3A_1070, %select_n3A_1046 : vector<16xi1>, vector<16xf32>
      %mul3A_1075 = arith.constant 16 : i32
      %mul3A_1076 = arith.muli %scan3A_737, %mul3A_1075 : i32
      %add3A_1077 = arith.constant 12 : i32
      %add3A_1078 = arith.addi %mul3A_1076, %add3A_1077 : i32
      %mul3A_1079 = arith.constant 16 : i32
      %mul3A_1080 = arith.muli %add3A_1078, %mul3A_1079 : i32
      %get3A_1081 = arith.index_cast %mul3A_1080 : i32 to index
      %get3A_1082 = tpu.vector_load %arg9[%get3A_1081] {strides = array<i32>} : memref<32768xf32, #tpu.memory_space<vmem>>, vector<16xf32>,
      %broadcast_in_dim3A_1083 = vector.shape_cast %xor3A_639 : vector<16xi32> to vector<16x1xi32>
      %gather3A_1084 = vector.shape_cast %broadcast_in_dim3A_1083 : vector<16x1xi32> to vector<16xi32>
      %gather3A_1085 = tpu.dynamic_gather %get3A_1082[%gather3A_1084] in [0] : vector<16xf32>, vector<16xi32> -> vector<16xf32>
      %add3A_1086 = arith.addf %get3A_1082, %gather3A_1085 : vector<16xf32>
      %broadcast_in_dim3A_1087 = vector.shape_cast %xor3A_642 : vector<16xi32> to vector<16x1xi32>
      %gather3A_1088 = vector.shape_cast %broadcast_in_dim3A_1087 : vector<16x1xi32> to vector<16xi32>
      %gather3A_1089 = tpu.dynamic_gather %add3A_1086[%gather3A_1088] in [0] : vector<16xf32>, vector<16xi32> -> vector<16xf32>
      %add3A_1090 = arith.addf %add3A_1086, %gather3A_1089 : vector<16xf32>
      %broadcast_in_dim3A_1091 = vector.shape_cast %xor3A_645 : vector<16xi32> to vector<16x1xi32>
      %gather3A_1092 = vector.shape_cast %broadcast_in_dim3A_1091 : vector<16x1xi32> to vector<16xi32>
      %gather3A_1093 = tpu.dynamic_gather %add3A_1090[%gather3A_1092] in [0] : vector<16xf32>, vector<16xi32> -> vector<16xf32>
      %add3A_1094 = arith.addf %add3A_1090, %gather3A_1093 : vector<16xf32>
      %broadcast_in_dim3A_1095 = vector.shape_cast %xor3A_648 : vector<16xi32> to vector<16x1xi32>
      %gather3A_1096 = vector.shape_cast %broadcast_in_dim3A_1095 : vector<16x1xi32> to vector<16xi32>
      %gather3A_1097 = tpu.dynamic_gather %add3A_1094[%gather3A_1096] in [0] : vector<16xf32>, vector<16xi32> -> vector<16xf32>
      %add3A_1098 = arith.addf %add3A_1094, %gather3A_1097 : vector<16xf32>
      %eq3A_1099 = arith.constant 12 : i32
      %eq3A_1100 = vector.broadcast %eq3A_1099 : i32 to vector<16xi32>
      %eq3A_1101 = arith.cmpi eq, %iota3A, %eq3A_1100 : vector<16xi32>
      %select_n3A_1102 = arith.select %eq3A_1101, %add3A_1098, %select_n3A_1074 : vector<16xi1>, vector<16xf32>
      %mul3A_1103 = arith.constant 16 : i32
      %mul3A_1104 = arith.muli %scan3A_737, %mul3A_1103 : i32
      %add3A_1105 = arith.constant 13 : i32
      %add3A_1106 = arith.addi %mul3A_1104, %add3A_1105 : i32
      %mul3A_1107 = arith.constant 16 : i32
      %mul3A_1108 = arith.muli %add3A_1106, %mul3A_1107 : i32
      %get3A_1109 = arith.index_cast %mul3A_1108 : i32 to index
      %get3A_1110 = tpu.vector_load %arg9[%get3A_1109] {strides = array<i32>} : memref<32768xf32, #tpu.memory_space<vmem>>, vector<16xf32>,
      %broadcast_in_dim3A_1111 = vector.shape_cast %xor3A_639 : vector<16xi32> to vector<16x1xi32>
      %gather3A_1112 = vector.shape_cast %broadcast_in_dim3A_1111 : vector<16x1xi32> to vector<16xi32>
      %gather3A_1113 = tpu.dynamic_gather %get3A_1110[%gather3A_1112] in [0] : vector<16xf32>, vector<16xi32> -> vector<16xf32>
      %add3A_1114 = arith.addf %get3A_1110, %gather3A_1113 : vector<16xf32>
      %broadcast_in_dim3A_1115 = vector.shape_cast %xor3A_642 : vector<16xi32> to vector<16x1xi32>
      %gather3A_1116 = vector.shape_cast %broadcast_in_dim3A_1115 : vector<16x1xi32> to vector<16xi32>
      %gather3A_1117 = tpu.dynamic_gather %add3A_1114[%gather3A_1116] in [0] : vector<16xf32>, vector<16xi32> -> vector<16xf32>
      %add3A_1118 = arith.addf %add3A_1114, %gather3A_1117 : vector<16xf32>
      %broadcast_in_dim3A_1119 = vector.shape_cast %xor3A_645 : vector<16xi32> to vector<16x1xi32>
      %gather3A_1120 = vector.shape_cast %broadcast_in_dim3A_1119 : vector<16x1xi32> to vector<16xi32>
      %gather3A_1121 = tpu.dynamic_gather %add3A_1118[%gather3A_1120] in [0] : vector<16xf32>, vector<16xi32> -> vector<16xf32>
      %add3A_1122 = arith.addf %add3A_1118, %gather3A_1121 : vector<16xf32>
      %broadcast_in_dim3A_1123 = vector.shape_cast %xor3A_648 : vector<16xi32> to vector<16x1xi32>
      %gather3A_1124 = vector.shape_cast %broadcast_in_dim3A_1123 : vector<16x1xi32> to vector<16xi32>
      %gather3A_1125 = tpu.dynamic_gather %add3A_1122[%gather3A_1124] in [0] : vector<16xf32>, vector<16xi32> -> vector<16xf32>
      %add3A_1126 = arith.addf %add3A_1122, %gather3A_1125 : vector<16xf32>
      %eq3A_1127 = arith.constant 13 : i32
      %eq3A_1128 = vector.broadcast %eq3A_1127 : i32 to vector<16xi32>
      %eq3A_1129 = arith.cmpi eq, %iota3A, %eq3A_1128 : vector<16xi32>
      %select_n3A_1130 = arith.select %eq3A_1129, %add3A_1126, %select_n3A_1102 : vector<16xi1>, vector<16xf32>
      %mul3A_1131 = arith.constant 16 : i32
      %mul3A_1132 = arith.muli %scan3A_737, %mul3A_1131 : i32
      %add3A_1133 = arith.constant 14 : i32
      %add3A_1134 = arith.addi %mul3A_1132, %add3A_1133 : i32
      %mul3A_1135 = arith.constant 16 : i32
      %mul3A_1136 = arith.muli %add3A_1134, %mul3A_1135 : i32
      %get3A_1137 = arith.index_cast %mul3A_1136 : i32 to index
      %get3A_1138 = tpu.vector_load %arg9[%get3A_1137] {strides = array<i32>} : memref<32768xf32, #tpu.memory_space<vmem>>, vector<16xf32>,
      %broadcast_in_dim3A_1139 = vector.shape_cast %xor3A_639 : vector<16xi32> to vector<16x1xi32>
      %gather3A_1140 = vector.shape_cast %broadcast_in_dim3A_1139 : vector<16x1xi32> to vector<16xi32>
      %gather3A_1141 = tpu.dynamic_gather %get3A_1138[%gather3A_1140] in [0] : vector<16xf32>, vector<16xi32> -> vector<16xf32>
      %add3A_1142 = arith.addf %get3A_1138, %gather3A_1141 : vector<16xf32>
      %broadcast_in_dim3A_1143 = vector.shape_cast %xor3A_642 : vector<16xi32> to vector<16x1xi32>
      %gather3A_1144 = vector.shape_cast %broadcast_in_dim3A_1143 : vector<16x1xi32> to vector<16xi32>
      %gather3A_1145 = tpu.dynamic_gather %add3A_1142[%gather3A_1144] in [0] : vector<16xf32>, vector<16xi32> -> vector<16xf32>
      %add3A_1146 = arith.addf %add3A_1142, %gather3A_1145 : vector<16xf32>
      %broadcast_in_dim3A_1147 = vector.shape_cast %xor3A_645 : vector<16xi32> to vector<16x1xi32>
      %gather3A_1148 = vector.shape_cast %broadcast_in_dim3A_1147 : vector<16x1xi32> to vector<16xi32>
      %gather3A_1149 = tpu.dynamic_gather %add3A_1146[%gather3A_1148] in [0] : vector<16xf32>, vector<16xi32> -> vector<16xf32>
      %add3A_1150 = arith.addf %add3A_1146, %gather3A_1149 : vector<16xf32>
      %broadcast_in_dim3A_1151 = vector.shape_cast %xor3A_648 : vector<16xi32> to vector<16x1xi32>
      %gather3A_1152 = vector.shape_cast %broadcast_in_dim3A_1151 : vector<16x1xi32> to vector<16xi32>
      %gather3A_1153 = tpu.dynamic_gather %add3A_1150[%gather3A_1152] in [0] : vector<16xf32>, vector<16xi32> -> vector<16xf32>
      %add3A_1154 = arith.addf %add3A_1150, %gather3A_1153 : vector<16xf32>
      %eq3A_1155 = arith.constant 14 : i32
      %eq3A_1156 = vector.broadcast %eq3A_1155 : i32 to vector<16xi32>
      %eq3A_1157 = arith.cmpi eq, %iota3A, %eq3A_1156 : vector<16xi32>
      %select_n3A_1158 = arith.select %eq3A_1157, %add3A_1154, %select_n3A_1130 : vector<16xi1>, vector<16xf32>
      %mul3A_1159 = arith.constant 16 : i32
      %mul3A_1160 = arith.muli %scan3A_737, %mul3A_1159 : i32
      %add3A_1161 = arith.constant 15 : i32
      %add3A_1162 = arith.addi %mul3A_1160, %add3A_1161 : i32
      %mul3A_1163 = arith.constant 16 : i32
      %mul3A_1164 = arith.muli %add3A_1162, %mul3A_1163 : i32
      %get3A_1165 = arith.index_cast %mul3A_1164 : i32 to index
      %get3A_1166 = tpu.vector_load %arg9[%get3A_1165] {strides = array<i32>} : memref<32768xf32, #tpu.memory_space<vmem>>, vector<16xf32>,
      %broadcast_in_dim3A_1167 = vector.shape_cast %xor3A_639 : vector<16xi32> to vector<16x1xi32>
      %gather3A_1168 = vector.shape_cast %broadcast_in_dim3A_1167 : vector<16x1xi32> to vector<16xi32>
      %gather3A_1169 = tpu.dynamic_gather %get3A_1166[%gather3A_1168] in [0] : vector<16xf32>, vector<16xi32> -> vector<16xf32>
      %add3A_1170 = arith.addf %get3A_1166, %gather3A_1169 : vector<16xf32>
      %broadcast_in_dim3A_1171 = vector.shape_cast %xor3A_642 : vector<16xi32> to vector<16x1xi32>
      %gather3A_1172 = vector.shape_cast %broadcast_in_dim3A_1171 : vector<16x1xi32> to vector<16xi32>
      %gather3A_1173 = tpu.dynamic_gather %add3A_1170[%gather3A_1172] in [0] : vector<16xf32>, vector<16xi32> -> vector<16xf32>
      %add3A_1174 = arith.addf %add3A_1170, %gather3A_1173 : vector<16xf32>
      %broadcast_in_dim3A_1175 = vector.shape_cast %xor3A_645 : vector<16xi32> to vector<16x1xi32>
      %gather3A_1176 = vector.shape_cast %broadcast_in_dim3A_1175 : vector<16x1xi32> to vector<16xi32>
      %gather3A_1177 = tpu.dynamic_gather %add3A_1174[%gather3A_1176] in [0] : vector<16xf32>, vector<16xi32> -> vector<16xf32>
      %add3A_1178 = arith.addf %add3A_1174, %gather3A_1177 : vector<16xf32>
      %broadcast_in_dim3A_1179 = vector.shape_cast %xor3A_648 : vector<16xi32> to vector<16x1xi32>
      %gather3A_1180 = vector.shape_cast %broadcast_in_dim3A_1179 : vector<16x1xi32> to vector<16xi32>
      %gather3A_1181 = tpu.dynamic_gather %add3A_1178[%gather3A_1180] in [0] : vector<16xf32>, vector<16xi32> -> vector<16xf32>
      %add3A_1182 = arith.addf %add3A_1178, %gather3A_1181 : vector<16xf32>
      %eq3A_1183 = arith.constant 15 : i32
      %eq3A_1184 = vector.broadcast %eq3A_1183 : i32 to vector<16xi32>
      %eq3A_1185 = arith.cmpi eq, %iota3A, %eq3A_1184 : vector<16xi32>
      %select_n3A_1186 = arith.select %eq3A_1185, %add3A_1182, %select_n3A_1158 : vector<16xi1>, vector<16xf32>
      %mul3A_1187 = arith.constant 16 : i32
      %mul3A_1188 = arith.muli %scan3A_737, %mul3A_1187 : i32
      %swap3A = arith.index_cast %mul3A_1188 : i32 to index
      %swap3A_1189 = tpu.vector_load %arg10[%swap3A] {strides = array<i32>} : memref<2048xf32, #tpu.memory_space<vmem>>, vector<16xf32>,
      tpu.vector_store %arg10[%swap3A], %select_n3A_1186 {strides = array<i32>} : memref<2048xf32, #tpu.memory_space<vmem>>, vector<16xf32>,
      %scan3A_1190 = arith.constant 0 : i32
      scf.yield %scan3A_1190 : i32
    }
    %scan3A_736 = arith.constant 128 : i32
    "tpu.region"() ({
      %run_scoped3A = tpu.sem_alloc : memref<!tpu.dma_semaphore, #tpu.memory_space<semaphore_mem>>
      %dma_start3A_737 = arith.constant 0 : i32
      %dma_start3A_738 = tpu.memref_slice %arg5[%add3A, %dma_start3A_737] : memref<32x2048xf32, #tpu.memory_space<hbm>> -> memref<1x2048xf32, #tpu.memory_space<hbm>>
      %dma_start3A_739 = tpu.memref_squeeze %dma_start3A_738 : memref<1x2048xf32, #tpu.memory_space<hbm>> -> memref<2048xf32, #tpu.memory_space<hbm>>
      %dma_start3A_740 = arith.constant 0 : i32
      %dma_start3A_741 = tpu.memref_slice %arg5[%add3A, %dma_start3A_740] : memref<32x2048xf32, #tpu.memory_space<hbm>> -> memref<1x2048xf32, #tpu.memory_space<hbm>>
      %dma_start3A_742 = tpu.memref_squeeze %dma_start3A_741 : memref<1x2048xf32, #tpu.memory_space<hbm>> -> memref<2048xf32, #tpu.memory_space<hbm>>
      tpu.enqueue_dma source(%arg10 : memref<2048xf32, #tpu.memory_space<vmem>>) target(%dma_start3A_742 : memref<2048xf32, #tpu.memory_space<hbm>>) target_semaphore(%run_scoped3A : memref<!tpu.dma_semaphore, #tpu.memory_space<semaphore_mem>>)
      %dma_wait3A = arith.constant 0 : i32
      %dma_wait3A_743 = tpu.memref_slice %arg5[%add3A, %dma_wait3A] : memref<32x2048xf32, #tpu.memory_space<hbm>> -> memref<1x2048xf32, #tpu.memory_space<hbm>>
      %dma_wait3A_744 = tpu.memref_squeeze %dma_wait3A_743 : memref<1x2048xf32, #tpu.memory_space<hbm>> -> memref<2048xf32, #tpu.memory_space<hbm>>
      %dma_wait3A_745 = arith.constant 0 : i32
      %dma_wait3A_746 = tpu.memref_slice %arg5[%add3A, %dma_wait3A_745] : memref<32x2048xf32, #tpu.memory_space<hbm>> -> memref<1x2048xf32, #tpu.memory_space<hbm>>
      %dma_wait3A_747 = tpu.memref_squeeze %dma_wait3A_746 : memref<1x2048xf32, #tpu.memory_space<hbm>> -> memref<2048xf32, #tpu.memory_space<hbm>>
      tpu.wait_dma2 semaphore(%run_scoped3A : memref<!tpu.dma_semaphore, #tpu.memory_space<semaphore_mem>>) src(%arg10 : memref<2048xf32, #tpu.memory_space<vmem>>) dst(%dma_wait3A_747 : memref<2048xf32, #tpu.memory_space<hbm>>)
      tpu.yield
    }) : () -> ()
    return
  }
}

module attributes {stable_mosaic.version = 14 : i64} {
  func.func @_mm_body(%arg0: i32, %arg1: memref<256x4096xf32, #tpu.memory_space<vmem>>, %arg2: memref<8x128xf32, #tpu.memory_space<vmem>>, %arg3: memref<8x128xf32, #tpu.memory_space<vmem>>) attributes {dimension_semantics = [#tpu.dimension_semantics<arbitrary>], iteration_bounds = array<i64: 32>, scalar_prefetch = 0 : i64, scratch_operands = 0 : i64, tpu.core_type = #tpu.core_type<tc>, window_params = [{transform_indices = @transform_0, window_bounds = array<i64: 256, 4096>}, {pipeline_mode = #tpu.pipeline_mode<synchronous>, transform_indices = @transform_1, window_bounds = array<i64: 8, 128>}, {pipeline_mode = #tpu.pipeline_mode<synchronous>, transform_indices = @transform_2, window_bounds = array<i64: 8, 128>}]} {
    %eq3A = arith.constant 0 : i32
    %eq3A_0 = arith.cmpi eq, %arg0, %eq3A : i32
    %convert_element_type3A = arith.extui %eq3A_0 : i1 to i32
    %cond3A = arith.constant 0 : i32
    %cond3A_1 = arith.cmpi ne, %convert_element_type3A, %cond3A : i32
    scf.if %cond3A_1 {
      %broadcast_in_dim3A = arith.constant 0x7F800000 : f32
      %broadcast_in_dim3A_25 = vector.broadcast %broadcast_in_dim3A : f32 to vector<8x128xf32>
      %swap3A_26 = arith.constant 0 : index
      %swap3A_27 = arith.constant 0 : index
      %swap3A_28 = vector.load %arg2[%swap3A_26, %swap3A_27] : memref<8x128xf32, #tpu.memory_space<vmem>>, vector<8x128xf32>
      tpu.vector_store %arg2[%swap3A_26, %swap3A_27], %broadcast_in_dim3A_25 {strides = array<i32>} : memref<8x128xf32, #tpu.memory_space<vmem>>, vector<8x128xf32>,
      %broadcast_in_dim3A_29 = arith.constant 0xFF800000 : f32
      %broadcast_in_dim3A_30 = vector.broadcast %broadcast_in_dim3A_29 : f32 to vector<8x128xf32>
      %swap3A_31 = arith.constant 0 : index
      %swap3A_32 = arith.constant 0 : index
      %swap3A_33 = vector.load %arg3[%swap3A_31, %swap3A_32] : memref<8x128xf32, #tpu.memory_space<vmem>>, vector<8x128xf32>
      tpu.vector_store %arg3[%swap3A_31, %swap3A_32], %broadcast_in_dim3A_30 {strides = array<i32>} : memref<8x128xf32, #tpu.memory_space<vmem>>, vector<8x128xf32>,
    } else {
    }
    %get3A = arith.constant 0 : index
    %get3A_2 = arith.constant 0 : index
    %get3A_3 = vector.load %arg1[%get3A, %get3A_2] : memref<256x4096xf32, #tpu.memory_space<vmem>>, vector<256x4096xf32>
    %get3A_4 = arith.constant 0 : index
    %get3A_5 = arith.constant 0 : index
    %get3A_6 = vector.load %arg2[%get3A_4, %get3A_5] : memref<8x128xf32, #tpu.memory_space<vmem>>, vector<8x128xf32>
    %reduce_min3A = vector.shape_cast %get3A_3 : vector<256x4096xf32> to vector<1x256x4096xf32>
    %reduce_min3A_7 = arith.constant dense<0x7F800000> : vector<1xf32>
    %reduce_min3A_8 = vector.multi_reduction <minimumf>, %reduce_min3A, %reduce_min3A_7 [1, 2] : vector<1x256x4096xf32> to vector<1xf32>
    %reduce_min3A_9 = vector.shape_cast %reduce_min3A_8 : vector<1xf32> to vector<1x1x1xf32>
    %reduce_min3A_10 = vector.extract %reduce_min3A_9[0, 0, 0] : f32 from vector<1x1x1xf32>
    %min3A = vector.broadcast %reduce_min3A_10 : f32 to vector<8x128xf32>
    %min3A_11 = arith.minimumf %get3A_6, %min3A : vector<8x128xf32>
    %swap3A = arith.constant 0 : index
    %swap3A_12 = arith.constant 0 : index
    %swap3A_13 = vector.load %arg2[%swap3A, %swap3A_12] : memref<8x128xf32, #tpu.memory_space<vmem>>, vector<8x128xf32>
    tpu.vector_store %arg2[%swap3A, %swap3A_12], %min3A_11 {strides = array<i32>} : memref<8x128xf32, #tpu.memory_space<vmem>>, vector<8x128xf32>,
    %get3A_14 = arith.constant 0 : index
    %get3A_15 = arith.constant 0 : index
    %get3A_16 = vector.load %arg3[%get3A_14, %get3A_15] : memref<8x128xf32, #tpu.memory_space<vmem>>, vector<8x128xf32>
    %reduce_max3A = vector.shape_cast %get3A_3 : vector<256x4096xf32> to vector<1x256x4096xf32>
    %reduce_max3A_17 = arith.constant dense<0xFF800000> : vector<1xf32>
    %reduce_max3A_18 = vector.multi_reduction <maximumf>, %reduce_max3A, %reduce_max3A_17 [1, 2] : vector<1x256x4096xf32> to vector<1xf32>
    %reduce_max3A_19 = vector.shape_cast %reduce_max3A_18 : vector<1xf32> to vector<1x1x1xf32>
    %reduce_max3A_20 = vector.extract %reduce_max3A_19[0, 0, 0] : f32 from vector<1x1x1xf32>
    %max3A = vector.broadcast %reduce_max3A_20 : f32 to vector<8x128xf32>
    %max3A_21 = arith.maximumf %get3A_16, %max3A : vector<8x128xf32>
    %swap3A_22 = arith.constant 0 : index
    %swap3A_23 = arith.constant 0 : index
    %swap3A_24 = vector.load %arg3[%swap3A_22, %swap3A_23] : memref<8x128xf32, #tpu.memory_space<vmem>>, vector<8x128xf32>
    tpu.vector_store %arg3[%swap3A_22, %swap3A_23], %max3A_21 {strides = array<i32>} : memref<8x128xf32, #tpu.memory_space<vmem>>, vector<8x128xf32>,
    return
  }
  func.func @transform_0(%arg0: i32) -> (i32, i32) {
    %c0_i32 = arith.constant 0 : i32
    %c0_i32_0 = arith.constant 0 : i32
    return %arg0, %c0_i32 : i32, i32
  }
  func.func @transform_1(%arg0: i32) -> (i32, i32) {
    %c0_i32 = arith.constant 0 : i32
    %c0_i32_0 = arith.constant 0 : i32
    %c0_i32_1 = arith.constant 0 : i32
    return %c0_i32, %c0_i32_0 : i32, i32
  }
  func.func @transform_2(%arg0: i32) -> (i32, i32) {
    %c0_i32 = arith.constant 0 : i32
    %c0_i32_0 = arith.constant 0 : i32
    %c0_i32_1 = arith.constant 0 : i32
    return %c0_i32, %c0_i32_0 : i32, i32
  }
}

</mosaic_0001>

<sc_bundles>
// kernel: kernel.4.cloned.1.call-start
scs
__scs_entry_jumppad:
0x0: {  	(pc) =	sbr.rel $0x88, $3  }
0x1: {  	(tag) =	ssettag $0x0;
	lr =	simm.s32 $0x1  }
0x2: {  	[smem:$0x3FA0] =	sst lr;
	_ =	strace $0xD0000000  }
0x3: {  	_ = 	snop  }
0x4: {  	_ = 	snop  }
0x5: {  	_ = 	snop  }
0x6: {  	_ = 	snop  }
0x7: {  	_ = 	snop  }
__scs_overlays_trampoline_lowered:
0x8: {  	[smem:$0x3FAF] =	sst s0  }
0x9: {  	[smem:$0x3FB0] =	sst s1  }
0xa: {  	[smem:$0x3FB1] =	sst s2  }
0xb: {  	[smem:$0x3FB2] =	sst s3  }
0xc: {  	[smem:$0x3FB3] =	sst s4  }
0xd: {  	[smem:$0x3FB4] =	sst s5  }
0xe: {  	[smem:$0x3FB5] =	sst s6  }
0xf: {  	[smem:$0x3FB6] =	sst s7  }
0x10: {  	[smem:$0x3FB7] =	sst s8  }
0x11: {  	[smem:$0x3FB8] =	sst s9;
	s0 =	simm.s32 @!p0 $0x0  }
0x12: {  	s1 =	sld [smem:$0x3F9E];
	s0 =	simm.s32 @p0 $0x1  }
0x13: {  	[smem:$0x3FB9] =	sst s0;
	s0 =	simm.s32 @!p1 $0x0  }
0x14: {  	s2 =	sld [smem:$0x3F9D];
	s0 =	simm.s32 @p1 $0x1  }
0x15: {  	[smem:$0x3FBA] =	sst s0;
	s0 =	simm.s32 @!p2 $0x0  }
0x16: {  	s3 =	sld [smem:$0x3FDB];
	s0 =	simm.s32 @p2 $0x1  }
0x17: {  	s4 =	simm.s32 $0x1BF5;
	[smem:$0x3FBC] =	sst s0  }
0x18: {  	s0 =	sld [smem:$0x3F9F];
	_ =	swait.ge [sflag:s4], $0x0  }
0x19: {  	s7 =	sld [smem:$0x3FA0]  }
0x1a: {  	s8 =	sadd.s32 $0xFFFFE003, lr  }
0x1b: {  	s9 =	sadd.s32 $0xFFFFFEF7, lr;
	s5 =	simm.s32 $0xFFFFFFFF;
	p2 =	slt.u32 s8, $0xFFFFF086  }
0x1c: {  	p1 =	slt.u32 s9, $0xF7A;
	s5 =	simm.s32 @!p2 $0x0  }
0x1d: {  	s5 =	simm.s32 @p1 $0x1;
	p0 =	seq.s32 s7, s2  }
0x1e: {  	s7 =	smul.u32 @!p0 $0xF7A, s2;
	p2 =	seq.s32 @!p0 s5, $0x0  }
0x1f: {  	s9 =	smul.u32 $0xF7A, s1;
	s8 =	simm.s32 @!p0 $0x1BF5;
	p2 =	por !p2, p0  }
0x20: {  	[sflag:s8] =	ssyncset.s32 @!p0 $0xFFFFF086;
	s6 =	sadd.s32 @!p0 s3, s7;
	s7 =	simm.s32 @!p0 $0x108  }
0x21: {  	s3 =	sadd.s32 s3, s9;
	s6 =	sadd.s32 @!p0 $0x88, s6;
	s7 =	simm.s32 @p2 $0x1082  }
0x22: {  	[simem:s7], [sflag:s8] =	dma.local @!p0 [hbm:s6], $0xF7A  }
0x23: {  	s9 =	sor.u32 $0xD0000000, s2;
	s6 =	simm.s32 $0x108;
	_ =	swait.ge @!p0 [sflag:s8], $0x0  }
0x24: {  	s3 =	sadd.s32 $0x88, s3;
	s6 =	simm.s32 @!p1 $0x1082;
	[sflag:s4] =	ssyncset.s32 $0xFFFFF086  }
0x25: {  	[simem:s6], [sflag:s4] =	dma.local [hbm:s3], $0xF7A  }
0x26: {  	[smem:$0x3FA0] =	sst s1;
	(tag) =	ssettag s2;
	_ =	strace s9  }
0x27: {  	s1 =	sld [smem:$0x3FB0]  }
0x28: {  	s2 =	sld [smem:$0x3FB1]  }
0x29: {  	s4 =	sld [smem:$0x3FB3]  }
0x2a: {  	p0 =	seq.s32 s5, $0x0;
	s5 =	sld [smem:$0x3FB4]  }
0x2b: {  	s6 =	sld [smem:$0x3FB5]  }
0x2c: {  	s7 =	sld [smem:$0x3FB6]  }
0x2d: {  	s3 =	simm.s32 $0x108;
	s8 =	sld [smem:$0x3FB7]  }
0x2e: {  	s3 =	simm.s32 @!p0 $0x1082;
	s9 =	sld [smem:$0x3FB8]  }
0x2f: {  	lr =	sadd.s32 s0, s3;
	s0 =	sld [smem:$0x3FAF]  }
0x30: {  	s3 =	sld [smem:$0x3FB2]  }
0x31: {  	[smem:$0x3FBB] =	sst s10  }
0x32: {  	s10 =	sld [smem:$0x3FB9];
	_ =	sdelay $0x3  }
0x33: {  	p0 =	seq.s32 s10, $0x1;
	s10 =	sld [smem:$0x3FBB];
	_ =	sdelay $0x3  }
0x34: {  	[smem:$0x3FBB] =	sst s10  }
0x35: {  	s10 =	sld [smem:$0x3FBA];
	_ =	sdelay $0x3  }
0x36: {  	p1 =	seq.s32 s10, $0x1;
	s10 =	sld [smem:$0x3FBB];
	_ =	sdelay $0x3  }
0x37: {  	[smem:$0x3FBB] =	sst s10  }
0x38: {  	s10 =	sld [smem:$0x3FBC]  }
0x39: {  	_ = 	snop;
	(pc) =	sbr.ind lr, $3  }
0x3a: {  	_ = 	snop  }
0x3b: {  	_ = 	snop  }
0x3c: {  	p2 =	seq.s32 s10, $0x1;
	s10 =	sld [smem:$0x3FBB]  }
0x3d: {  	_ =	shalt  }
0x3e: {  	_ =	shalt  }
0x3f: {  	_ =	shalt  }
0x40: {  	_ =	shalt  }
0x41: {  	_ =	shalt  }
0x42: {  	_ =	shalt  }
0x43: {  	_ =	shalt  }
0x44: {  	_ =	shalt  }
0x45: {  	_ =	shalt  }
0x46: {  	_ =	shalt  }
0x47: {  	_ =	shalt  }
0x48: {  	_ =	shalt  }
0x49: {  	_ =	shalt  }
0x4a: {  	_ =	shalt  }
0x4b: {  	_ =	shalt  }
0x4c: {  	_ =	shalt  }
0x4d: {  	_ =	shalt  }
0x4e: {  	_ =	shalt  }
0x4f: {  	_ =	shalt  }
0x50: {  	_ =	shalt  }
0x51: {  	_ =	shalt  }
0x52: {  	_ =	shalt  }
0x53: {  	_ =	shalt  }
0x54: {  	_ =	shalt  }
0x55: {  	_ =	shalt  }
0x56: {  	_ =	shalt  }
0x57: {  	_ =	shalt  }
0x58: {  	_ =	shalt  }
0x59: {  	_ =	shalt  }
0x5a: {  	_ =	shalt  }
0x5b: {  	_ =	shalt  }
0x5c: {  	_ =	shalt  }
0x5d: {  	_ =	shalt  }
0x5e: {  	_ =	shalt  }
0x5f: {  	_ =	shalt  }
0x60: {  	_ =	shalt  }
0x61: {  	_ =	shalt  }
0x62: {  	_ =	shalt  }
0x63: {  	_ =	shalt  }
0x64: {  	_ =	shalt  }
0x65: {  	_ =	shalt  }
0x66: {  	_ =	shalt  }
0x67: {  	_ =	shalt  }
0x68: {  	_ =	shalt  }
0x69: {  	_ =	shalt  }
0x6a: {  	_ =	shalt  }
0x6b: {  	_ =	shalt  }
0x6c: {  	_ =	shalt  }
0x6d: {  	_ =	shalt  }
0x6e: {  	_ =	shalt  }
0x6f: {  	_ =	shalt  }
0x70: {  	_ =	shalt  }
0x71: {  	_ =	shalt  }
0x72: {  	_ =	shalt  }
0x73: {  	_ =	shalt  }
0x74: {  	_ =	shalt  }
0x75: {  	_ =	shalt  }
0x76: {  	_ =	shalt  }
0x77: {  	_ =	shalt  }
0x78: {  	_ =	shalt  }
0x79: {  	_ =	shalt  }
0x7a: {  	_ =	shalt  }
0x7b: {  	_ =	shalt  }
0x7c: {  	_ =	shalt  }
0x7d: {  	_ =	shalt  }
0x7e: {  	_ =	shalt  }
0x7f: {  	_ =	shalt  }
0x80: {  	_ =	shalt  }
0x81: {  	_ =	shalt  }
0x82: {  	_ =	shalt  }
0x83: {  	_ =	shalt  }
0x84: {  	_ =	shalt  }
0x85: {  	_ =	shalt  }
0x86: {  	_ =	shalt  }
0x87: {  	_ =	shalt  }
.Lfunc_end0:
.L_simem_size_0:
called_computation_lowered:
.L_overlay_start_0:
0x88: {  	s2 =	sld [smem:$0x3FD9]  }
0x89: {  	s3 =	sld [smem:$0x3FFE];
	_ =	sdelay $0x1  }
0x8a: {  	s1 =	srdreg.scid  }
0x8b: {  	s0 =	sand.u32 $0x1, s1  }
0x8c: {  	s17 =	sshll.u32 s0, $0xA;
	s2 =	sadd.s32 s3, s2  }
0x8d: {  	s2 =	sadd.s32 s2, s17  }
0x8e: {  	[smem:$0x3FC7] =	sst s2  }
0x8f: {  	_ = 	snop  }
0x90: {  	s2 =	sld [smem:$0x3FC9]  }
0x91: {  	s18 =	sld [smem:$0x3FD0];
	(tm) =	ssettm $0x1  }
0x92: {  	s4 =	sld [smem:$0x3FFB];
	_ =	sdelay $0x3  }
0x93: {  	_ =	strace s4  }
0x94: {  	s4 =	sld [smem:$0x3FFC];
	_ =	sdelay $0x3  }
0x95: {  	_ =	strace s4  }
0x96: {  	s4 =	sld [smem:$0x3FFD];
	_ =	sdelay $0x3  }
0x97: {  	_ =	strace s4  }
0x98: {  	_ =	strace $0x8FFFFFFF  }
0x99: {  	s19 =	sld [smem:$0x3FDB];
	_ =	sdelay $0x1  }
0x9a: {  	s5 =	simm.s32 $_scs_section_size  }
0x9b: {  	s6 =	simm.s32 $_size__tile_overlayer_lowered;
	s7 =	simm.s32 $_tile_overlayer_lowered  }
0x9c: {  	s22 =	simm.s32 $0x1BFF;
	s21 =	sshll.u32 s7, $0x1;
	s4 =	sadd.s32 s5, s19  }
0x9d: {  	s8 =	simm.s32 $0x0;
	s20 =	sshll.u32 s6, $0x1;
	s6 =	sadd.s32 s21, s4  }
0x9e: {  	[timem:s8], [sflag:s22] =	dma.local [hbm:s6], s20  }
0x9f: {  	_ =	swait.ge [sflag:s22], s20  }
0xa0: {  	s5 =	ssub.s32 $0x0, s20;
	[sflag:s22] =	ssyncset.done $0x0  }
0xa1: {  	[sflag:s22] =	ssyncadd.s32 s5;
	_ =	sdelay $0x1  }
0xa2: {  	s23 =	simm.s32 $0x1B8B  }
0xa3: {  	_ =	swait.ge [sflag:s23], $0x1  }
0xa4: {  	[sflag:s23] =	ssyncset.done $0x0  }
0xa5: {  	s25 =	simm.s32 $0x1B8E;
	s24 =	sld [smem:$0x3FFE];
	[sflag:s23] =	ssyncadd.s32 $0xFFFFFFFF  }
0xa6: {  	s26 =	simm.s32 $execute0_lowered;
	[smem:$0x3FD2] =	sst s25  }
0xa7: {  	s6 =	sshll.u32 s26, $0x1;
	_ =	strace $0x80000046;
	[dreg:$0x1] =	wrdreg $0xFFFFFFFF  }
0xa8: {  	s28 =	simm.s32 $_size_execute0_lowered;
	s4 =	sadd.s32 s4, s6;
	[dreg:$0x0] =	wrdreg $0x0  }
0xa9: {  	s6 =	sshll.u32 s28, $0x1;
	[dreg:$0x2] =	wrdreg s4  }
0xaa: {  	[dreg:$0x3] =	wrdreg s6  }
0xab: {  	[dreg:$0x4] =	wrdreg $0xC0  }
0xac: {  	_ =	task [dreg:s8], $0x5FFFF  }
0xad: {  	[dreg:$0x1] =	wrdreg $0xFFFFFFFF  }
0xae: {  	[dreg:$0x0] =	wrdreg $0x60  }
0xaf: {  	[dreg:$0x2] =	wrdreg s2  }
0xb0: {  	[dreg:$0x3] =	wrdreg s18  }
0xb1: {  	[dreg:$0x4] =	wrdreg s24  }
0xb2: {  	[dreg:$0x5] =	wrdreg $0x9  }
0xb3: {  	_ =	task.clear_ibuf [dreg:s8], $0x6FFFF;
	_ =	strace $0x90000046  }
0xb4: {  	s29 =	simm.s32 $0x9;
	_ =	strace $0x80000048  }
0xb5: {  	_ =	swait.ge [sflag:s29], $0x1  }
0xb6: {  	[sflag:s29] =	ssyncadd.s32 $0xFFFFFFFF  }
0xb7: {  	_ =	strace $0x90000048  }
0xb8: {  	_ =	sfence  }
0xb9: {  	s30 =	sld [smem:$0x0];
	_ =	sdelay $0x2  }
0xba: {  	s31 =	sshll.u32 s1, $0xD;
	s1 =	sshrl.u32 s1, $0x2  }
0xbb: {  	s3 =	sand.u32 $0x4000, s31;
	s1 =	sadd.s32 s1, s30  }
0xbc: {  	s0 =	sor.u32 s3, s0;
	s1 =	sshll.u32 s1, $0x11  }
0xbd: {  	s0 =	sor.u32 s1, s0  }
0xbe: {  	s0 =	sadd.s32 $0x8F2B, s0  }
0xbf: {  	[sflag:s0] =	ssyncadd.remote.s32 $0x1  }
0xc0: {  	_ =	sfence.sel $0xFFFF  }
0xc1: {  	[dreg:$0x0] =	wrdreg $0xFFFFFFFF;
	(pc) =	sbr.abs _section_cstart, $3  }
0xc2: {  	[dreg:$0x1] =	wrdreg $0xFFFFFFFF  }
0xc3: {  	_ =	task.clear_ibuf [dreg:s8], $0x2FFFF;
	_ =	strace $0x9FFFFFFF  }
0xc4: {  	(tm) =	ssettm $0x7FFFFFFF  }
0xc5: {  	_ =	shalt  }
tec
execute0_lowered:
.L_overlay_start_1:
0x0: {  	(tag) =	ssettag $0x1  }
0x1: {  	v0 =	vimm.s32 $0xFEDCBA98;
	v1 =	vimm.s32 $0x76543210  }
0x2: {  	v2 =	vimm.s32 $0xBA98FEDC;
	v3 =	vimm.s32 $0x32107654;
	v4 =	vimm.s32 $0xDCFE98BA  }
0x3: {  	s5 =	rddreg [dreg:$0x0];
	v5 =	vimm.s32 $0x54761032;
	v6 =	vimm.s32 $0xEFCDAB89;
	v7 =	vimm.s32 $0x67452301  }
0x4: {  	s0 =	rddreg [dreg:$0x1];
	vm0 =	vmmov $0x1;
	vm1 =	vmmov $0x3;
	vm2 =	vmmov $0x7  }
0x5: {  	s6 =	rddreg [dreg:$0x2];
	vm3 =	vmmov $0xf;
	vm4 =	vmmov $0x1f;
	vm5 =	vmmov $0x3f  }
0x6: {  	s1 =	rddreg [dreg:$0x3];
	s2 =	simm.s32 $0x0;
	vm6 =	vmmov $0x7f;
	vm7 =	vmmov $0xff;
	vm8 =	vmmov $0x1ff  }
0x7: {  	s3 =	stileid.u32;
	s4 =	srdreg.scid;
	s11 =	simm.s32 $0x10400;
	vm9 =	vmmov $0x3ff;
	vm10 =	vmmov $0x7ff;
	vm11 =	vmmov $0xfff  }
0x8: {  	s12 =	simm.s32 $0x8000;
	s13 =	simm.s32 $0x1;
	s14 =	simm.s32 $0x10800;
	vm12 =	vmmov $0x1fff;
	vm13 =	vmmov $0x3fff;
	vm14 =	vmmov $0x7fff  }
0x9: {  	s15 =	simm.s32 $0x2;
	s16 =	simm.s32 $0x80;
	s17 =	simm.s32 $0x400;
	v0 =	vunpack.c.l.s4.s8 v0;
	v1 =	vunpack.c.l.s4.s8 v1;
	v2 =	vunpack.c.l.s4.s8 v2  }
0xa: {  	s18 =	simm.s32 $0x18800;
	s19 =	simm.s32 $0x0;
	v3 =	vunpack.c.l.s4.s8 v3;
	v4 =	vunpack.c.l.s4.s8 v4;
	v5 =	vunpack.c.l.s4.s8 v5;
	[smem:$0x7FF] =	sst s2  }
0xb: {  	v6 =	vunpack.c.l.s4.s8 v6;
	v7 =	vunpack.c.l.s4.s8 v7;
	s7 =	sshll.u32 s3, $0x9;
	s8 =	sand.u32 $0x1, s4;
	s30 =	sshll.u32 s3, $0x1;
	v0 =	vunpack.c.0.s8.s32 v0  }
0xc: {  	s4 =	sadd.s32 $0x600, s6;
	_ =	strace $0x80000047;
	s7 =	sand.u32 $0x1800, s7;
	v2 =	vunpack.c.0.s8.s32 v2;
	v3 =	vunpack.c.0.s8.s32 v3;
	v4 =	vunpack.c.0.s8.s32 v4  }
0xd: {  	s9 =	sor.u32 s8, s30;
	s8 =	ssub.s32 $0x2, s8;
	v5 =	vunpack.c.0.s8.s32 v5;
	v6 =	vunpack.c.0.s8.s32 v6;
	v7 =	vunpack.c.0.s8.s32 v7;
	s6 =	sadd.s32 s7, s6  }
0xe: {  	v1 =	vunpack.c.0.s8.s32 v1;
	s31 =	sshll.u32 s9, $0x4;
	s9 =	sshll.u32 s9, $0x11;
	s10 =	sshrl.u32 s8, $0x1;
	v2 =	vcombine.low v3, v2;
	v0 =	vand.u32 $0xF, v0  }
0xf: {  	s7 =	sand.u32 $0x70, s31;
	s5 =	sadd.s32 s5, s9;
	s8 =	ssub.s32 s8, s10;
	v3 =	vcombine.low v5, v4;
	v4 =	vcombine.low v7, v6;
	v5 =	vlaneseq.u32  }
0x10: {  	s9 =	simm.s32 $0x10000;
	s10 =	simm.s32 $0x3;
	s7 =	sadd.s32 s7, s6;
	v6 =	vimm.f32 $1.000000000e+00;
	v0 =	vcombine.low v0, v1;
	v1 =	vand.u32 $0xF, v2  }
0x11: {  	s6 =	sadd.s32 $0x2000, s5;
	s8 =	smax.u32 s8, $0x1;
	s7 =	sadd.s32 $0x800, s7;
	v2 =	vand.u32 $0xF, v3;
	v3 =	vand.u32 $0xF, v4;
	v4 =	vimm.f32 $0.0e+00  }
.LBB2_1:
0x12: {  	[tilespmem:s9], [sflag:$0x3] =	stream.linear.gather [hbm4b:s0+s2], $0x400, $0x38;
	[tilespmem:$0x19000] =	vst v63  }
0x13: {  	_ =	swait.ge [sflag:s10], $0x400  }
0x14: {  	[sflag:s10] =	ssyncset.done $0x0  }
0x15: {  	[sflag:s10] =	ssyncadd.s32 $0xFFFFFC00  }
0x16: {  	[tilespmem:s11], [sflag:$0x3] =	stream.linear.gather [hbm4b:s4+s2], $0x400, $0x38;
	[tilespmem:$0x19000] =	vst v63  }
0x17: {  	_ =	swait.ge [sflag:s10], $0x400  }
0x18: {  	[sflag:s10] =	ssyncset.done $0x0  }
0x19: {  	[sflag:s10] =	ssyncadd.s32 $0xFFFFFC00  }
0x1a: {  	v7 =	vld [tilespmem:$0x10000]  }
0x1b: {  	v8 =	vld [tilespmem:$0x10400]  }
0x1c: {  	v9 =	vld [tilespmem:$0x10010]  }
0x1d: {  	v10 =	vld [tilespmem:$0x10410]  }
0x1e: {  	v11 =	vld [tilespmem:$0x10020]  }
0x1f: {  	v12 =	vld [tilespmem:$0x10420]  }
0x20: {  	v13 =	vld [tilespmem:$0x10030]  }
0x21: {  	v14 =	vld [tilespmem:$0x10430]  }
0x22: {  	v15 =	vld [tilespmem:$0x10040]  }
0x23: {  	v16 =	vld [tilespmem:$0x10440]  }
0x24: {  	v17 =	vld [tilespmem:$0x10050]  }
0x25: {  	v18 =	vld [tilespmem:$0x10450]  }
0x26: {  	v19 =	vld [tilespmem:$0x10060]  }
0x27: {  	v20 =	vld [tilespmem:$0x10460]  }
0x28: {  	v21 =	vld [tilespmem:$0x10070]  }
0x29: {  	v22 =	vld [tilespmem:$0x10470]  }
0x2a: {  	v23 =	vld [tilespmem:$0x10080]  }
0x2b: {  	v24 =	vld [tilespmem:$0x10480]  }
0x2c: {  	v25 =	vld [tilespmem:$0x10090]  }
0x2d: {  	v26 =	vld [tilespmem:$0x10490]  }
0x2e: {  	v27 =	vld [tilespmem:$0x100A0]  }
0x2f: {  	v28 =	vld [tilespmem:$0x104A0]  }
0x30: {  	v29 =	vld [tilespmem:$0x100B0]  }
0x31: {  	v30 =	vld [tilespmem:$0x104B0]  }
0x32: {  	v31 =	vld [tilespmem:$0x100C0]  }
0x33: {  	v32 =	vld [tilespmem:$0x104C0]  }
0x34: {  	v33 =	vld [tilespmem:$0x100D0]  }
0x35: {  	v34 =	vld [tilespmem:$0x104D0]  }
0x36: {  	v35 =	vld [tilespmem:$0x100E0]  }
0x37: {  	v36 =	vld [tilespmem:$0x104E0]  }
0x38: {  	v37 =	vld [tilespmem:$0x100F0]  }
0x39: {  	v38 =	vld [tilespmem:$0x104F0]  }
0x3a: {  	v39 =	vld [tilespmem:$0x10100]  }
0x3b: {  	v40 =	vld [tilespmem:$0x10500]  }
0x3c: {  	v41 =	vld [tilespmem:$0x10110]  }
0x3d: {  	v42 =	vld [tilespmem:$0x10510]  }
0x3e: {  	v43 =	vld [tilespmem:$0x10120]  }
0x3f: {  	v44 =	vld [tilespmem:$0x10520]  }
0x40: {  	v45 =	vld [tilespmem:$0x10130]  }
0x41: {  	v46 =	vld [tilespmem:$0x10530]  }
0x42: {  	v47 =	vld [tilespmem:$0x10140]  }
0x43: {  	v48 =	vld [tilespmem:$0x10540]  }
0x44: {  	v49 =	vld [tilespmem:$0x10150]  }
0x45: {  	v50 =	vld [tilespmem:$0x10550]  }
0x46: {  	v51 =	vld [tilespmem:$0x10160]  }
0x47: {  	v63 =	vld [tilespmem:$0x101C0]  }
0x48: {  	v52 =	vld [tilespmem:$0x10560]  }
0x49: {  	v53 =	vld [tilespmem:$0x10170]  }
0x4a: {  	v54 =	vld [tilespmem:$0x10570]  }
0x4b: {  	v55 =	vld [tilespmem:$0x10180]  }
0x4c: {  	[tilespmem:$0x1FF30] =	vst v63;
	v63 =	vld [tilespmem:$0x105C0]  }
0x4d: {  	v56 =	vld [tilespmem:$0x10580]  }
0x4e: {  	v57 =	vld [tilespmem:$0x10190]  }
0x4f: {  	v58 =	vld [tilespmem:$0x10590]  }
0x50: {  	v59 =	vld [tilespmem:$0x101A0]  }
0x51: {  	[tilespmem:$0x1FF40] =	vst v63;
	v63 =	vld [tilespmem:$0x101D0]  }
0x52: {  	v60 =	vld [tilespmem:$0x105A0]  }
0x53: {  	v61 =	vld [tilespmem:$0x101B0]  }
0x54: {  	v62 =	vld [tilespmem:$0x105B0]  }
0x55: {  	v7 =	vmin.f32 v7, v9;
	v9 =	vld [tilespmem:$0x10230]  }
0x56: {  	[tilespmem:$0x1FF50] =	vst v63;
	v63 =	vld [tilespmem:$0x105D0]  }
0x57: {  	v8 =	vmax.f32 v8, v10;
	v10 =	vld [tilespmem:$0x10630]  }
0x58: {  	v7 =	vmin.f32 v7, v11;
	v11 =	vld [tilespmem:$0x10240]  }
0x59: {  	v8 =	vmax.f32 v8, v12;
	v12 =	vld [tilespmem:$0x10640]  }
0x5a: {  	v7 =	vmin.f32 v7, v13;
	v13 =	vld [tilespmem:$0x10250]  }
0x5b: {  	[tilespmem:$0x1FF60] =	vst v63;
	v63 =	vld [tilespmem:$0x101E0]  }
0x5c: {  	v8 =	vmax.f32 v8, v14;
	v14 =	vld [tilespmem:$0x10650]  }
0x5d: {  	v7 =	vmin.f32 v7, v15;
	v15 =	vld [tilespmem:$0x10260]  }
0x5e: {  	v8 =	vmax.f32 v8, v16;
	v16 =	vld [tilespmem:$0x10660]  }
0x5f: {  	v7 =	vmin.f32 v7, v17;
	v17 =	vld [tilespmem:$0x10270]  }
0x60: {  	[tilespmem:$0x1FF70] =	vst v63;
	v63 =	vld [tilespmem:$0x105E0]  }
0x61: {  	v8 =	vmax.f32 v8, v18;
	v18 =	vld [tilespmem:$0x10670]  }
0x62: {  	v7 =	vmin.f32 v7, v19;
	v19 =	vld [tilespmem:$0x10280]  }
0x63: {  	v8 =	vmax.f32 v8, v20;
	v20 =	vld [tilespmem:$0x10680]  }
0x64: {  	v7 =	vmin.f32 v7, v21;
	v21 =	vld [tilespmem:$0x10290]  }
0x65: {  	[tilespmem:$0x1FF80] =	vst v63;
	v63 =	vld [tilespmem:$0x101F0]  }
0x66: {  	v8 =	vmax.f32 v8, v22;
	v22 =	vld [tilespmem:$0x10690]  }
0x67: {  	v7 =	vmin.f32 v7, v23;
	v23 =	vld [tilespmem:$0x102A0]  }
0x68: {  	v8 =	vmax.f32 v8, v24;
	v24 =	vld [tilespmem:$0x106A0]  }
0x69: {  	v7 =	vmin.f32 v7, v25;
	v25 =	vld [tilespmem:$0x102B0]  }
0x6a: {  	[tilespmem:$0x1FF90] =	vst v63;
	v63 =	vld [tilespmem:$0x105F0]  }
0x6b: {  	v8 =	vmax.f32 v8, v26;
	v26 =	vld [tilespmem:$0x106B0]  }
0x6c: {  	v7 =	vmin.f32 v7, v27;
	v27 =	vld [tilespmem:$0x102C0]  }
0x6d: {  	v8 =	vmax.f32 v8, v28;
	v28 =	vld [tilespmem:$0x106C0]  }
0x6e: {  	v7 =	vmin.f32 v7, v29;
	v29 =	vld [tilespmem:$0x102D0]  }
0x6f: {  	[tilespmem:$0x1FFA0] =	vst v63;
	v63 =	vld [tilespmem:$0x10200]  }
0x70: {  	v8 =	vmax.f32 v8, v30;
	v30 =	vld [tilespmem:$0x106D0]  }
0x71: {  	v7 =	vmin.f32 v7, v31;
	v31 =	vld [tilespmem:$0x102E0]  }
0x72: {  	v8 =	vmax.f32 v8, v32;
	v32 =	vld [tilespmem:$0x106E0]  }
0x73: {  	v7 =	vmin.f32 v7, v33;
	v8 =	vmax.f32 v8, v34;
	v33 =	vld [tilespmem:$0x102F0]  }
0x74: {  	v7 =	vmin.f32 v7, v35;
	v8 =	vmax.f32 v8, v36;
	[tilespmem:$0x1FFB0] =	vst v63;
	v63 =	vld [tilespmem:$0x10600]  }
0x75: {  	v34 =	vld [tilespmem:$0x106F0];
	v7 =	vmin.f32 v7, v37;
	v8 =	vmax.f32 v8, v38  }
0x76: {  	v35 =	vld [tilespmem:$0x10300];
	v7 =	vmin.f32 v7, v39;
	v8 =	vmax.f32 v8, v40  }
0x77: {  	v36 =	vld [tilespmem:$0x10700];
	v7 =	vmin.f32 v7, v41;
	v8 =	vmax.f32 v8, v42  }
0x78: {  	v37 =	vld [tilespmem:$0x10310];
	v7 =	vmin.f32 v7, v43;
	v8 =	vmax.f32 v8, v44  }
0x79: {  	v7 =	vmin.f32 v7, v45;
	v8 =	vmax.f32 v8, v46;
	[tilespmem:$0x1FFC0] =	vst v63;
	v63 =	vld [tilespmem:$0x10210]  }
0x7a: {  	v7 =	vmin.f32 v7, v47;
	v8 =	vmax.f32 v8, v48;
	v48 =	vld [tilespmem:$0x1FF30]  }
0x7b: {  	v7 =	vmin.f32 v7, v49;
	v49 =	vld [tilespmem:$0x1FF40]  }
0x7c: {  	v8 =	vmax.f32 v8, v50;
	v50 =	vld [tilespmem:$0x1FF50]  }
0x7d: {  	v7 =	vmin.f32 v7, v51;
	v51 =	vld [tilespmem:$0x1FF60]  }
0x7e: {  	[tilespmem:$0x1FFD0] =	vst v63;
	v63 =	vld [tilespmem:$0x10610]  }
0x7f: {  	v8 =	vmax.f32 v8, v52;
	v52 =	vld [tilespmem:$0x1FF70]  }
0x80: {  	v7 =	vmin.f32 v7, v53;
	v53 =	vld [tilespmem:$0x1FF80]  }
0x81: {  	v8 =	vmax.f32 v8, v54;
	v54 =	vld [tilespmem:$0x1FF90]  }
0x82: {  	v7 =	vmin.f32 v7, v55;
	v55 =	vld [tilespmem:$0x1FFA0]  }
0x83: {  	[tilespmem:$0x1FFE0] =	vst v63;
	v63 =	vld [tilespmem:$0x10220]  }
0x84: {  	v8 =	vmax.f32 v8, v56;
	v56 =	vld [tilespmem:$0x1FFB0]  }
0x85: {  	v7 =	vmin.f32 v7, v57;
	v8 =	vmax.f32 v8, v58;
	v57 =	vld [tilespmem:$0x1FFC0]  }
0x86: {  	v7 =	vmin.f32 v7, v59;
	v8 =	vmax.f32 v8, v60;
	v59 =	vld [tilespmem:$0x1FFD0]  }
0x87: {  	v7 =	vmin.f32 v7, v61;
	v8 =	vmax.f32 v8, v62;
	v60 =	vld [tilespmem:$0x1FFE0]  }
0x88: {  	v7 =	vmin.f32 v7, v48;
	v8 =	vmax.f32 v8, v49;
	[tilespmem:$0x1FFF0] =	vst v63;
	v63 =	vld [tilespmem:$0x10620]  }
0x89: {  	v7 =	vmin.f32 v7, v50;
	v8 =	vmax.f32 v8, v51;
	v62 =	vld [tilespmem:$0x1FFF0]  }
0x8a: {  	v38 =	vld [tilespmem:$0x10710];
	v7 =	vmin.f32 v7, v52;
	v8 =	vmax.f32 v8, v53  }
0x8b: {  	v39 =	vld [tilespmem:$0x10320];
	v7 =	vmin.f32 v7, v54;
	v8 =	vmax.f32 v8, v55  }
0x8c: {  	v45 =	vld [tilespmem:$0x10730];
	v7 =	vmin.f32 v7, v56;
	v8 =	vmax.f32 v8, v57  }
0x8d: {  	v46 =	vld [tilespmem:$0x10750];
	v7 =	vmin.f32 v7, v59;
	v8 =	vmax.f32 v8, v60  }
0x8e: {  	v47 =	vld [tilespmem:$0x10360];
	v8 =	vmax.f32 v8, v63;
	v7 =	vmin.f32 v7, v62  }
0x8f: {  	v58 =	vld [tilespmem:$0x10720];
	v8 =	vmax.f32 v8, v10;
	v7 =	vmin.f32 v7, v9  }
0x90: {  	v61 =	vld [tilespmem:$0x10330];
	v8 =	vmax.f32 v8, v12;
	v7 =	vmin.f32 v7, v11  }
0x91: {  	v48 =	vld [tilespmem:$0x10760];
	v8 =	vmax.f32 v8, v14;
	v7 =	vmin.f32 v7, v13  }
0x92: {  	v49 =	vld [tilespmem:$0x10370];
	v8 =	vmax.f32 v8, v16;
	v7 =	vmin.f32 v7, v15  }
0x93: {  	v50 =	vld [tilespmem:$0x10770];
	v8 =	vmax.f32 v8, v18;
	v7 =	vmin.f32 v7, v17  }
0x94: {  	v51 =	vld [tilespmem:$0x10380];
	v8 =	vmax.f32 v8, v20;
	v7 =	vmin.f32 v7, v19  }
0x95: {  	v52 =	vld [tilespmem:$0x10780];
	v8 =	vmax.f32 v8, v22;
	v7 =	vmin.f32 v7, v21  }
0x96: {  	v53 =	vld [tilespmem:$0x10390];
	v8 =	vmax.f32 v8, v24;
	v7 =	vmin.f32 v7, v23  }
0x97: {  	v54 =	vld [tilespmem:$0x10790];
	v8 =	vmax.f32 v8, v26;
	v7 =	vmin.f32 v7, v25  }
0x98: {  	v55 =	vld [tilespmem:$0x103A0];
	v8 =	vmax.f32 v8, v28;
	v7 =	vmin.f32 v7, v27  }
0x99: {  	v56 =	vld [tilespmem:$0x107A0];
	v8 =	vmax.f32 v8, v30;
	v7 =	vmin.f32 v7, v29  }
0x9a: {  	v10 =	vld [tilespmem:$0x10740];
	v8 =	vmax.f32 v8, v32;
	v7 =	vmin.f32 v7, v31  }
0x9b: {  	v9 =	vld [tilespmem:$0x10340];
	v8 =	vmax.f32 v8, v34;
	v7 =	vmin.f32 v7, v33  }
0x9c: {  	v11 =	vld [tilespmem:$0x10350];
	v8 =	vmax.f32 v8, v36;
	v7 =	vmin.f32 v7, v35  }
0x9d: {  	v57 =	vld [tilespmem:$0x103B0];
	v8 =	vmax.f32 v8, v38;
	v7 =	vmin.f32 v7, v37  }
0x9e: {  	v59 =	vld [tilespmem:$0x103C0];
	v8 =	vmax.f32 v8, v58;
	v7 =	vmin.f32 v7, v39  }
0x9f: {  	v60 =	vld [tilespmem:$0x103E0];
	v8 =	vmax.f32 v8, v45;
	v7 =	vmin.f32 v7, v61  }
0xa0: {  	v63 =	vld [tilespmem:$0x107F0];
	v8 =	vmax.f32 v8, v10;
	v7 =	vmin.f32 v7, v9  }
0xa1: {  	v58 =	vld [tilespmem:$0x107B0];
	v8 =	vmax.f32 v8, v46;
	v7 =	vmin.f32 v7, v11  }
0xa2: {  	v10 =	vld [tilespmem:$0x103D0];
	v8 =	vmax.f32 v8, v48;
	v7 =	vmin.f32 v7, v47  }
0xa3: {  	v9 =	vld [tilespmem:$0x107C0];
	v8 =	vmax.f32 v8, v50;
	v7 =	vmin.f32 v7, v49  }
0xa4: {  	v11 =	vld [tilespmem:$0x107D0];
	v8 =	vmax.f32 v8, v52;
	v7 =	vmin.f32 v7, v51  }
0xa5: {  	v61 =	vld [tilespmem:$0x107E0];
	v8 =	vmax.f32 v8, v54;
	v7 =	vmin.f32 v7, v53  }
0xa6: {  	v62 =	vld [tilespmem:$0x103F0];
	v8 =	vmax.f32 v8, v56;
	v7 =	vmin.f32 v7, v55  }
0xa7: {  	v8 =	vmax.f32 v8, v58;
	v7 =	vmin.f32 v7, v57  }
0xa8: {  	v8 =	vmax.f32 v8, v9;
	v7 =	vmin.f32 v7, v59  }
0xa9: {  	v8 =	vmax.f32 v8, v11;
	v7 =	vmin.f32 v7, v10  }
0xaa: {  	v8 =	vmax.f32 v8, v61;
	v7 =	vmin.f32 v7, v60  }
0xab: {  	v8 =	vmax.f32 v8, v63;
	v7 =	vmin.f32 v7, v62  }
0xac: {  	v10 =	vperm.xlane v8, v0;
	v9 =	vperm.xlane v7, v0;
	_ =	sdelay $0x1  }
0xad: {  	v8 =	vmax.f32 v8, v10;
	v7 =	vmin.f32 v7, v9  }
0xae: {  	v10 =	vperm.xlane v8, v1;
	v9 =	vperm.xlane v7, v1;
	_ =	sdelay $0x1  }
0xaf: {  	v8 =	vmax.f32 v8, v10;
	v7 =	vmin.f32 v7, v9  }
0xb0: {  	v10 =	vperm.xlane v8, v2;
	v9 =	vperm.xlane v7, v2;
	_ =	sdelay $0x1  }
0xb1: {  	v8 =	vmax.f32 v8, v10;
	v7 =	vmin.f32 v7, v9  }
0xb2: {  	s21 =	simm.s32 $0x40;
	s20 =	simm.s32 $0x0;
	v10 =	vperm.xlane v8, v3;
	v9 =	vperm.xlane v7, v3  }
.LBB2_2:
0xb3: {  	p0 =	sne.s32 s21, $0x1FFC0;
	[tilespmem:s20+$0x10800] =	vst v4;
	s20 =	smov.u32 s21;
	s21 =	sadd.s32 $0x40, s21  }
.Ltmp0:
0xb4: {  	(pc) =	sbr.rel @p0 .LBB2_2-.Ltmp0, $2  }
0xb5: {  	_ =	sdelay $0x2  }
0xb6: {  	s20 =	sshra.s32 s20, $0x2  }
0xb7: {  	v7 =	vmin.f32 v7, v9  }
0xb8: {  	v8 =	vmax.f32 v8, v10;
	(v2sf) =	vpush v7, $0x0  }
0xb9: {  	(v2sf) =	vpush v8, $0x0;
	_ =	sdelay $0xd  }
0xba: {  	s21 =	spop (v2sf)  }
0xbb: {  	s22 =	spop (v2sf)  }
0xbc: {  	s23 =	ssub.f32 s22, s21;
	_ =	sdelay $0x1  }
0xbd: {  	s23 =	smul.f32 $5.000000000e-01, s23;
	_ =	sdelay $0x1  }
0xbe: {  	s21 =	ssub.f32 s21, s23  }
0xbf: {  	s22 =	sadd.f32 s23, s22;
	_ =	sdelay $0x1  }
0xc0: {  	s22 =	ssub.f32 s22, s21;
	_ =	sdelay $0x1  }
0xc1: {  	s22 =	smul.f32 $4.882812500e-04, s22;
	_ =	sdelay $0x1  }
0xc2: {  	v7 =	vmov s22  }
0xc3: {  	(erf) = vrcp.f32 v7;
	_ =	sdelay $0x4  }
0xc4: {  	s22 =	smul.f32 $3.125000000e-02, s22;
	_ =	sdelay $0x1  }
0xc5: {  	[tilespmem:s20+$0x10800] =	vst v4;
	s20 =	simm.s32 $0x0;
	s21 =	sadd.f32 s22, s21  }
0xc6: {  	[tilespmem:s20], [sflag:$0x1] =	stream.linear.gather [hbm4b:s5+s20], $0x8000, $0x38;
	[tilespmem:$0x19000] =	vst v63  }
0xc7: {  	v7 =	vmov s21;
	s21 =	simm.s32 $0x0;
	v8 =	vpop (erf)  }
.LBB2_4:
0xc8: {  	s22 =	sshll.u32 s21, $0xD  }
0xc9: {  	s23 =	sadd.s32 s22, s5  }
0xca: {  	s23 =	sadd.s32 $0x1000, s23  }
0xcb: {  	[tilespmem:s12], [sflag:$0x2] =	stream.linear.gather [hbm4b:s23+s20], $0x8000, $0x38;
	[tilespmem:$0x19000] =	vst v63  }
0xcc: {  	_ =	swait.ge [sflag:s13], $0x8000  }
0xcd: {  	s31 =	sand.u32 $0x70, s20;
	s24 =	sand.u32 $0x7C00, s20;
	[sflag:s13] =	ssyncset.done $0x0  }
0xce: {  	s23 =	sor.u32 s31, s24;
	[sflag:s13] =	ssyncadd.s32 $0xFFFF8000  }
0xcf: {  	v9 =	vld [tilespmem:s23+$0x0]  }
0xd0: {  	v10 =	vld [tilespmem:s23+$0x80]  }
0xd1: {  	v11 =	vld [tilespmem:s23+$0x100]  }
0xd2: {  	v12 =	vld [tilespmem:s23+$0x180]  }
0xd3: {  	s25 =	sand.u32 $0x7, s20;
	v13 =	vld [tilespmem:s23+$0x200]  }
0xd4: {  	s26 =	sshll.u32 s25, $0x4;
	v14 =	vld [tilespmem:s23+$0x280]  }
0xd5: {  	v15 =	vld [tilespmem:s23+$0x300];
	s23 =	sadd.s32 $0x0, s26  }
0xd6: {  	s28 =	sor.u32 $0x380, s23  }
0xd7: {  	v16 =	vld [tilespmem:s28+$0x0];
	v9 =	vsub.f32 v9, v7  }
0xd8: {  	v10 =	vsub.f32 v10, v7;
	v11 =	vsub.f32 v11, v7  }
0xd9: {  	s25 =	simm.s32 $0x10;
	s23 =	simm.s32 $0x80;
	v12 =	vsub.f32 v12, v7;
	v13 =	vsub.f32 v13, v7;
	v9 =	vmul.f32 v9, v8  }
0xda: {  	s29 =	sand.u32 $0x70, s25;
	s30 =	sand.u32 $0x7C00, s23;
	v14 =	vsub.f32 v14, v7;
	v10 =	vmul.f32 v10, v8;
	v11 =	vmul.f32 v11, v8  }
0xdb: {  	s25 =	sor.u32 s29, s30;
	v15 =	vsub.f32 v15, v7;
	v12 =	vmul.f32 v12, v8;
	v18 =	vmul.f32 v13, v8  }
0xdc: {  	s24 =	simm.s32 $0x1;
	v21 =	vld [tilespmem:s25+$0x0];
	v19 =	vmul.f32 v14, v8;
	v16 =	vsub.f32 v16, v7;
	v17 =	vadd.f32 $5.242880000e+05, v9  }
0xdd: {  	s26 =	sand.u32 $0x7, s24;
	v15 =	vmul.f32 v15, v8;
	v9 =	vld [tilespmem:s25+$0x80];
	v13 =	vadd.f32 $5.242880000e+05, v10;
	v14 =	vadd.f32 $5.242880000e+05, v11  }
0xde: {  	s26 =	sshll.u32 s26, $0x4;
	v10 =	vld [tilespmem:s25+$0x100];
	v12 =	vadd.f32 $5.242880000e+05, v12;
	v20 =	vadd.f32 $5.242880000e+05, v18;
	v17 =	vand.u32 $0x7FF0, v17  }
0xdf: {  	s26 =	sadd.s32 $0x80, s26;
	v11 =	vld [tilespmem:s25+$0x180];
	v16 =	vmul.f32 v16, v8;
	v22 =	vor.u32 v5, v17;
	v17 =	vand.u32 $0x7FF0, v13  }
0xe0: {  	s31 =	sor.u32 $0x380, s26;
	v12 =	vand.u32 $0x7FF0, v12;
	v13 =	vld [tilespmem:s25+$0x200];
	v23 =	vor.u32 v5, v17;
	v17 =	vand.u32 $0x7FF0, v14  }
0xe1: {  	v19 =	vadd.f32 $5.242880000e+05, v19;
	v18 =	vor.u32 v5, v12;
	v12 =	vld [tilespmem:s31+$0x0];
	v24 =	vor.u32 v5, v17  }
0xe2: {  	v15 =	vadd.f32 $5.242880000e+05, v15;
	v20 =	vand.u32 $0x7FF0, v20;
	v14 =	vld [tilespmem:s25+$0x280]  }
0xe3: {  	v16 =	vadd.f32 $5.242880000e+05, v16;
	v19 =	vand.u32 $0x7FF0, v19;
	v20 =	vor.u32 v5, v20;
	v17 =	vld [tilespmem:s25+$0x300]  }
0xe4: {  	v15 =	vand.u32 $0x7FF0, v15;
	v19 =	vor.u32 v5, v19;
	[tilespmem:v22+s14+$0x0] =	vst.idx.add.f32.msk $0xffff, v6  }
0xe5: {  	v15 =	vor.u32 v5, v15;
	v16 =	vand.u32 $0x7FF0, v16;
	[tilespmem:v23+s14+$0x0] =	vst.idx.add.f32.msk $0xffff, v6  }
0xe6: {  	v21 =	vsub.f32 v21, v7;
	s25 =	simm.s32 $0x20;
	v16 =	vor.u32 v5, v16;
	[tilespmem:v24+s14+$0x0] =	vst.idx.add.f32.msk $0xffff, v6  }
.LBB2_5:
0xe7: {  	p0 =	sne.s32 s25, $0xFF0;
	v9 =	vsub.f32 v9, v7;
	v10 =	vsub.f32 v10, v7;
	[tilespmem:v18+s14+$0x0] =	vst.idx.add.f32.msk $0xffff, v6  }
0xe8: {  	v11 =	vsub.f32 v11, v7;
	v13 =	vsub.f32 v13, v7;
	[tilespmem:v20+s14+$0x0] =	vst.idx.add.f32.msk $0xffff, v6  }
0xe9: {  	v14 =	vsub.f32 v14, v7;
	v17 =	vsub.f32 v17, v7;
	s23 =	sadd.s32 $0x80, s23;
	[tilespmem:v19+s14+$0x0] =	vst.idx.add.f32.msk $0xffff, v6  }
0xea: {  	s26 =	sand.u32 $0x70, s25;
	s28 =	sand.u32 $0x7C00, s23;
	v18 =	vmul.f32 v21, v8;
	v19 =	vmul.f32 v9, v8;
	[tilespmem:v15+s14+$0x0] =	vst.idx.add.f32.msk $0xffff, v6  }
0xeb: {  	s26 =	sor.u32 s26, s28;
	v11 =	vmul.f32 v11, v8;
	v15 =	vmul.f32 v10, v8;
	[tilespmem:v16+s14+$0x0] =	vst.idx.add.f32.msk $0xffff, v6  }
0xec: {  	v13 =	vmul.f32 v13, v8;
	v14 =	vmul.f32 v14, v8;
	v18 =	vadd.f32 $5.242880000e+05, v18;
	v16 =	vld [tilespmem:s26+$0x0]  }
0xed: {  	v12 =	vsub.f32 v12, v7;
	v20 =	vmul.f32 v17, v8;
	v19 =	vadd.f32 $5.242880000e+05, v19;
	v9 =	vld [tilespmem:s26+$0x80]  }
0xee: {  	s24 =	sadd.s32 $0x1, s24;
	v17 =	vadd.f32 $5.242880000e+05, v11;
	v15 =	vadd.f32 $5.242880000e+05, v15;
	v18 =	vand.u32 $0x7FF0, v18;
	v10 =	vld [tilespmem:s26+$0x100]  }
0xef: {  	s28 =	sand.u32 $0x7, s24;
	v21 =	vadd.f32 $5.242880000e+05, v13;
	v22 =	vor.u32 v5, v18;
	v18 =	vand.u32 $0x7FF0, v19;
	v11 =	vld [tilespmem:s26+$0x180]  }
0xf0: {  	s28 =	sshll.u32 s28, $0x4;
	v19 =	vadd.f32 $5.242880000e+05, v14;
	v23 =	vor.u32 v5, v18;
	v15 =	vand.u32 $0x7FF0, v15;
	v13 =	vld [tilespmem:s26+$0x200]  }
0xf1: {  	v24 =	vmul.f32 v12, v8;
	s28 =	sadd.s32 s28, s23;
	v12 =	vand.u32 $0x7FF0, v17;
	v25 =	vor.u32 v5, v15;
	v14 =	vld [tilespmem:s26+$0x280]  }
.Ltmp1:
0xf2: {  	v18 =	vor.u32 v5, v12;
	v15 =	vadd.f32 $5.242880000e+05, v20;
	v20 =	vand.u32 $0x7FF0, v21;
	v17 =	vld [tilespmem:s26+$0x300];
	s26 =	sor.u32 $0x380, s28;
	(pc) =	sbr.rel @p0 .LBB2_5-.Ltmp1, $4  }
0xf3: {  	v21 =	vadd.f32 $5.242880000e+05, v24;
	v19 =	vand.u32 $0x7FF0, v19;
	v20 =	vor.u32 v5, v20;
	v12 =	vld [tilespmem:s26+$0x0]  }
0xf4: {  	v19 =	vor.u32 v5, v19;
	v15 =	vand.u32 $0x7FF0, v15;
	[tilespmem:v22+s14+$0x0] =	vst.idx.add.f32.msk $0xffff, v6  }
0xf5: {  	v15 =	vor.u32 v5, v15;
	v22 =	vand.u32 $0x7FF0, v21;
	[tilespmem:v23+s14+$0x0] =	vst.idx.add.f32.msk $0xffff, v6  }
0xf6: {  	s25 =	sadd.s32 $0x10, s25;
	v21 =	vsub.f32 v16, v7;
	v16 =	vor.u32 v5, v22;
	[tilespmem:v25+s14+$0x0] =	vst.idx.add.f32.msk $0xffff, v6  }
0xf7: {  	v9 =	vsub.f32 v9, v7;
	v10 =	vsub.f32 v10, v7  }
0xf8: {  	v11 =	vsub.f32 v11, v7;
	v13 =	vsub.f32 v13, v7  }
0xf9: {  	v14 =	vsub.f32 v14, v7;
	v17 =	vsub.f32 v17, v7;
	v21 =	vmul.f32 v21, v8  }
0xfa: {  	v12 =	vsub.f32 v12, v7;
	v9 =	vmul.f32 v9, v8;
	v10 =	vmul.f32 v10, v8  }
0xfb: {  	v11 =	vmul.f32 v11, v8;
	v13 =	vmul.f32 v13, v8;
	v21 =	vadd.f32 $5.242880000e+05, v21  }
0xfc: {  	v14 =	vmul.f32 v14, v8;
	v17 =	vmul.f32 v17, v8;
	v9 =	vadd.f32 $5.242880000e+05, v9  }
0xfd: {  	v12 =	vmul.f32 v12, v8;
	v10 =	vadd.f32 $5.242880000e+05, v10;
	v21 =	vand.u32 $0x7FF0, v21  }
0xfe: {  	[tilespmem:v18+s14+$0x0] =	vst.idx.add.f32.msk $0xffff, v6;
	v11 =	vadd.f32 $5.242880000e+05, v11;
	v18 =	vor.u32 v5, v21;
	v9 =	vand.u32 $0x7FF0, v9  }
0xff: {  	[tilespmem:v20+s14+$0x0] =	vst.idx.add.f32.msk $0xffff, v6;
	v13 =	vadd.f32 $5.242880000e+05, v13;
	v10 =	vand.u32 $0x7FF0, v10;
	v9 =	vor.u32 v5, v9  }
0x100: {  	[tilespmem:v19+s14+$0x0] =	vst.idx.add.f32.msk $0xffff, v6;
	v14 =	vadd.f32 $5.242880000e+05, v14;
	v11 =	vand.u32 $0x7FF0, v11;
	v10 =	vor.u32 v5, v10  }
0x101: {  	[tilespmem:v15+s14+$0x0] =	vst.idx.add.f32.msk $0xffff, v6;
	v15 =	vadd.f32 $5.242880000e+05, v17;
	v13 =	vand.u32 $0x7FF0, v13;
	v11 =	vor.u32 v5, v11  }
0x102: {  	[tilespmem:v16+s14+$0x0] =	vst.idx.add.f32.msk $0xffff, v6;
	v12 =	vadd.f32 $5.242880000e+05, v12;
	v14 =	vand.u32 $0x7FF0, v14;
	v13 =	vor.u32 v5, v13  }
0x103: {  	v15 =	vand.u32 $0x7FF0, v15;
	v14 =	vor.u32 v5, v14;
	[tilespmem:v18+s14+$0x0] =	vst.idx.add.f32.msk $0xffff, v6  }
0x104: {  	v12 =	vand.u32 $0x7FF0, v12;
	[tilespmem:v9+s14+$0x0] =	vst.idx.add.f32.msk $0xffff, v6;
	v9 =	vor.u32 v5, v15  }
0x105: {  	[tilespmem:v10+s14+$0x0] =	vst.idx.add.f32.msk $0xffff, v6;
	v10 =	vor.u32 v5, v12  }
0x106: {  	[tilespmem:v11+s14+$0x0] =	vst.idx.add.f32.msk $0xffff, v6  }
0x107: {  	[tilespmem:v13+s14+$0x0] =	vst.idx.add.f32.msk $0xffff, v6  }
0x108: {  	[tilespmem:v14+s14+$0x0] =	vst.idx.add.f32.msk $0xffff, v6  }
0x109: {  	p0 =	seq.s32 s21, $0xF;
	[tilespmem:v9+s14+$0x0] =	vst.idx.add.f32.msk $0xffff, v6  }
0x10a: {  	s22 =	sadd.s32 @!p0 s22, s6;
	s23 =	simm.s32 @!p0 $0x0;
	[tilespmem:v10+s14+$0x0] =	vst.idx.add.f32.msk $0xffff, v6  }
0x10b: {  	[tilespmem:s23], [sflag:$0x1] =	stream.linear.gather @!p0 [hbm4b:s22+s23], $0x8000, $0x38;
	[tilespmem:$0x19000] =	vst v63  }
0x10c: {  	s29 =	simm.s32 $0x0;
	_ =	swait.ge [sflag:s15], $0x8000  }
0x10d: {  	s30 =	sand.u32 $0x70, s29;
	s22 =	sand.u32 $0x7C00, s29;
	[sflag:s15] =	ssyncset.done $0x0  }
0x10e: {  	s22 =	sor.u32 s30, s22;
	[sflag:s15] =	ssyncadd.s32 $0xFFFF8000  }
0x10f: {  	v9 =	vld [tilespmem:s22+$0x8000]  }
0x110: {  	v10 =	vld [tilespmem:s22+$0x8080]  }
0x111: {  	v11 =	vld [tilespmem:s22+$0x8100]  }
0x112: {  	v12 =	vld [tilespmem:s22+$0x8180]  }
0x113: {  	v13 =	vld [tilespmem:s22+$0x8200]  }
0x114: {  	v14 =	vld [tilespmem:s22+$0x8280]  }
0x115: {  	v15 =	vld [tilespmem:s22+$0x8300]  }
0x116: {  	v16 =	vld [tilespmem:s22+$0x8380]  }
0x117: {  	v9 =	vsub.f32 v9, v7  }
0x118: {  	v10 =	vsub.f32 v10, v7;
	v11 =	vsub.f32 v11, v7  }
0x119: {  	s31 =	simm.s32 $0x10;
	s22 =	simm.s32 $0x80;
	v12 =	vsub.f32 v12, v7;
	v13 =	vsub.f32 v13, v7  }
0x11a: {  	s23 =	sand.u32 $0x70, s31;
	s24 =	sand.u32 $0x7C00, s22;
	v14 =	vsub.f32 v14, v7;
	v15 =	vsub.f32 v15, v7;
	v9 =	vmul.f32 v9, v8  }
0x11b: {  	s23 =	sor.u32 s23, s24;
	v16 =	vsub.f32 v16, v7;
	v10 =	vmul.f32 v10, v8;
	v11 =	vmul.f32 v11, v8  }
0x11c: {  	v17 =	vld [tilespmem:s23+$0x8000];
	v12 =	vmul.f32 v12, v8;
	v13 =	vmul.f32 v13, v8;
	v9 =	vadd.f32 $5.242880000e+05, v9  }
0x11d: {  	v18 =	vld [tilespmem:s23+$0x8080];
	v14 =	vmul.f32 v14, v8;
	v15 =	vmul.f32 v15, v8;
	v10 =	vadd.f32 $5.242880000e+05, v10  }
0x11e: {  	v19 =	vld [tilespmem:s23+$0x8100];
	v16 =	vmul.f32 v16, v8;
	v11 =	vadd.f32 $5.242880000e+05, v11;
	v9 =	vand.u32 $0x7FF0, v9  }
0x11f: {  	v20 =	vld [tilespmem:s23+$0x8180];
	v12 =	vadd.f32 $5.242880000e+05, v12;
	v63 =	vor.u32 v5, v9;
	v9 =	vand.u32 $0x7FF0, v10  }
0x120: {  	v22 =	vld [tilespmem:s23+$0x8200];
	v11 =	vand.u32 $0x7FF0, v11;
	v10 =	vadd.f32 $5.242880000e+05, v13;
	v23 =	vor.u32 v5, v9  }
0x121: {  	v24 =	vadd.f32 $5.242880000e+05, v14;
	v14 =	vld [tilespmem:s23+$0x8380];
	v12 =	vand.u32 $0x7FF0, v12;
	v11 =	vor.u32 v5, v11  }
0x122: {  	v15 =	vadd.f32 $5.242880000e+05, v15;
	v13 =	vld [tilespmem:s23+$0x8300];
	v25 =	vor.u32 v5, v12;
	v10 =	vand.u32 $0x7FF0, v10  }
0x123: {  	v16 =	vadd.f32 $5.242880000e+05, v16;
	v9 =	vld [tilespmem:s23+$0x8280];
	v26 =	vor.u32 v5, v10;
	v10 =	vand.u32 $0x7FF0, v24  }
0x124: {  	v15 =	vand.u32 $0x7FF0, v15;
	v12 =	vor.u32 v5, v10;
	[tilespmem:v63+s14+$0x0] =	vst.idx.add.f32.msk $0xffff, v6  }
0x125: {  	v10 =	vor.u32 v5, v15;
	v15 =	vand.u32 $0x7FF0, v16;
	[tilespmem:v23+s14+$0x0] =	vst.idx.add.f32.msk $0xffff, v6  }
0x126: {  	v17 =	vsub.f32 v17, v7;
	[tilespmem:v11+s14+$0x0] =	vst.idx.add.f32.msk $0xffff, v6;
	v11 =	vor.u32 v5, v15  }
0x127: {  	v18 =	vsub.f32 v18, v7;
	v19 =	vsub.f32 v19, v7;
	[tilespmem:v25+s14+$0x0] =	vst.idx.add.f32.msk $0xffff, v6  }
0x128: {  	s23 =	simm.s32 $0x20;
	v16 =	vsub.f32 v22, v7;
	v15 =	vsub.f32 v20, v7;
	[tilespmem:v26+s14+$0x0] =	vst.idx.add.f32.msk $0xffff, v6  }
.LBB2_7:
0x129: {  	p0 =	sne.s32 s23, $0xFF0;
	v9 =	vsub.f32 v9, v7;
	v13 =	vsub.f32 v13, v7;
	s22 =	sadd.s32 $0x80, s22;
	[tilespmem:v12+s14+$0x0] =	vst.idx.add.f32.msk $0xffff, v6  }
0x12a: {  	s24 =	sand.u32 $0x70, s23;
	v12 =	vmul.f32 v17, v8;
	v14 =	vsub.f32 v14, v7;
	s25 =	sand.u32 $0x7C00, s22;
	[tilespmem:v10+s14+$0x0] =	vst.idx.add.f32.msk $0xffff, v6  }
0x12b: {  	v17 =	vmul.f32 v19, v8;
	v10 =	vmul.f32 v18, v8;
	s24 =	sor.u32 s24, s25;
	[tilespmem:v11+s14+$0x0] =	vst.idx.add.f32.msk $0xffff, v6  }
0x12c: {  	v15 =	vmul.f32 v15, v8;
	v16 =	vmul.f32 v16, v8;
	v12 =	vadd.f32 $5.242880000e+05, v12;
	v11 =	vld [tilespmem:s24+$0x8000]  }
0x12d: {  	v19 =	vmul.f32 v9, v8;
	v20 =	vmul.f32 v13, v8;
	v10 =	vadd.f32 $5.242880000e+05, v10;
	v18 =	vld [tilespmem:s24+$0x8080]  }
0x12e: {  	v9 =	vadd.f32 $5.242880000e+05, v17;
	v17 =	vmul.f32 v14, v8;
	v12 =	vand.u32 $0x7FF0, v12;
	v21 =	vld [tilespmem:s24+$0x8100]  }
0x12f: {  	v13 =	vadd.f32 $5.242880000e+05, v15;
	v12 =	vor.u32 v5, v12;
	v10 =	vand.u32 $0x7FF0, v10;
	v22 =	vld [tilespmem:s24+$0x8180]  }
0x130: {  	v14 =	vadd.f32 $5.242880000e+05, v16;
	v15 =	vand.u32 $0x7FF0, v9;
	v10 =	vor.u32 v5, v10;
	v23 =	vld [tilespmem:s24+$0x8200]  }
0x131: {  	v16 =	vadd.f32 $5.242880000e+05, v19;
	v15 =	vor.u32 v5, v15;
	v19 =	vand.u32 $0x7FF0, v13;
	v9 =	vld [tilespmem:s24+$0x8280]  }
0x132: {  	v20 =	vadd.f32 $5.242880000e+05, v20;
	v24 =	vor.u32 v5, v19;
	v19 =	vand.u32 $0x7FF0, v14;
	v13 =	vld [tilespmem:s24+$0x8300]  }
0x133: {  	v17 =	vadd.f32 $5.242880000e+05, v17;
	v16 =	vand.u32 $0x7FF0, v16;
	v25 =	vor.u32 v5, v19;
	v14 =	vld [tilespmem:s24+$0x8380]  }
.Ltmp2:
0x134: {  	[tilespmem:v12+s14+$0x0] =	vst.idx.add.f32.msk $0xffff, v6;
	v12 =	vor.u32 v5, v16;
	v16 =	vand.u32 $0x7FF0, v20;
	(pc) =	sbr.rel @p0 .LBB2_7-.Ltmp2, $4  }
0x135: {  	[tilespmem:v10+s14+$0x0] =	vst.idx.add.f32.msk $0xffff, v6;
	v10 =	vor.u32 v5, v16;
	v16 =	vand.u32 $0x7FF0, v17  }
0x136: {  	v17 =	vsub.f32 v11, v7;
	[tilespmem:v15+s14+$0x0] =	vst.idx.add.f32.msk $0xffff, v6;
	v11 =	vor.u32 v5, v16  }
0x137: {  	v18 =	vsub.f32 v18, v7;
	v19 =	vsub.f32 v21, v7;
	[tilespmem:v24+s14+$0x0] =	vst.idx.add.f32.msk $0xffff, v6  }
0x138: {  	s23 =	sadd.s32 $0x10, s23;
	v15 =	vsub.f32 v22, v7;
	v16 =	vsub.f32 v23, v7;
	[tilespmem:v25+s14+$0x0] =	vst.idx.add.f32.msk $0xffff, v6  }
0x139: {  	v9 =	vsub.f32 v9, v7;
	v13 =	vsub.f32 v13, v7;
	v17 =	vmul.f32 v17, v8  }
0x13a: {  	v14 =	vsub.f32 v14, v7;
	v18 =	vmul.f32 v18, v8;
	v19 =	vmul.f32 v19, v8  }
0x13b: {  	v15 =	vmul.f32 v15, v8;
	v16 =	vmul.f32 v16, v8;
	v17 =	vadd.f32 $5.242880000e+05, v17  }
0x13c: {  	v18 =	vadd.f32 $5.242880000e+05, v18;
	v9 =	vmul.f32 v9, v8;
	v13 =	vmul.f32 v13, v8  }
0x13d: {  	v19 =	vadd.f32 $5.242880000e+05, v19;
	v14 =	vmul.f32 v14, v8;
	v17 =	vand.u32 $0x7FF0, v17  }
0x13e: {  	v15 =	vadd.f32 $5.242880000e+05, v15;
	v18 =	vand.u32 $0x7FF0, v18;
	v17 =	vor.u32 v5, v17  }
0x13f: {  	v16 =	vadd.f32 $5.242880000e+05, v16;
	v19 =	vand.u32 $0x7FF0, v19;
	v18 =	vor.u32 v5, v18  }
0x140: {  	[tilespmem:v12+s14+$0x0] =	vst.idx.add.f32.msk $0xffff, v6;
	v9 =	vadd.f32 $5.242880000e+05, v9;
	v60 =	vor.u32 v5, v19;
	v15 =	vand.u32 $0x7FF0, v15  }
0x141: {  	[tilespmem:v10+s14+$0x0] =	vst.idx.add.f32.msk $0xffff, v6;
	v10 =	vadd.f32 $5.242880000e+05, v13;
	v62 =	vand.u32 $0x7FF0, v16;
	v61 =	vor.u32 v5, v15  }
0x142: {  	[tilespmem:v11+s14+$0x0] =	vst.idx.add.f32.msk $0xffff, v6;
	v11 =	vadd.f32 $5.242880000e+05, v14;
	v63 =	vor.u32 v5, v62;
	v9 =	vand.u32 $0x7FF0, v9  }
0x143: {  	v10 =	vand.u32 $0x7FF0, v10;
	v9 =	vor.u32 v5, v9;
	[tilespmem:v17+s14+$0x0] =	vst.idx.add.f32.msk $0xffff, v6  }
0x144: {  	s21 =	sadd.s32 $0x1, s21;
	v11 =	vand.u32 $0x7FF0, v11;
	v10 =	vor.u32 v5, v10;
	[tilespmem:v18+s14+$0x0] =	vst.idx.add.f32.msk $0xffff, v6  }
0x145: {  	p0 =	sne.s32 s21, $0x10;
	v11 =	vor.u32 v5, v11;
	[tilespmem:v60+s14+$0x0] =	vst.idx.add.f32.msk $0xffff, v6  }
.Ltmp3:
0x146: {  	[tilespmem:v61+s14+$0x0] =	vst.idx.add.f32.msk $0xffff, v6;
	(pc) =	sbr.rel @p0 .LBB2_4-.Ltmp3, $4  }
0x147: {  	[tilespmem:v63+s14+$0x0] =	vst.idx.add.f32.msk $0xffff, v6  }
0x148: {  	[tilespmem:v9+s14+$0x0] =	vst.idx.add.f32.msk $0xffff, v6  }
0x149: {  	[tilespmem:v10+s14+$0x0] =	vst.idx.add.f32.msk $0xffff, v6  }
0x14a: {  	[tilespmem:v11+s14+$0x0] =	vst.idx.add.f32.msk $0xffff, v6  }
0x14b: {  	s21 =	simm.s32 $0x10880  }
0x14c: {  	v7 =	vld [tilespmem:s21+$0x70]  }
0x14d: {  	v8 =	vld [tilespmem:s21+$0x60]  }
0x14e: {  	v9 =	vld [tilespmem:s21+$0x50];
	_ =	sdelay $0x1  }
0x14f: {  	v10 =	vld [tilespmem:s21+$0x40];
	_ =	sdelay $0x1  }
0x150: {  	v11 =	vperm.xlane v7, v0  }
0x151: {  	v12 =	vperm.xlane v8, v0;
	v13 =	vperm.xlane v9, v0  }
0x152: {  	v7 =	vadd.f32 v11, v7  }
0x153: {  	v8 =	vadd.f32 v12, v8;
	v11 =	vperm.xlane v10, v0;
	v9 =	vadd.f32 v13, v9;
	v13 =	vld [tilespmem:s21+$0x30]  }
0x154: {  	v15 =	vld [tilespmem:s21+$0x20];
	v12 =	vperm.xlane v7, v1  }
0x155: {  	v17 =	vld [tilespmem:s21+$0xFFFFFFF0];
	v14 =	vperm.xlane v8, v1;
	v10 =	vadd.f32 v11, v10;
	v11 =	vperm.xlane v9, v1  }
0x156: {  	v7 =	vadd.f32 v12, v7;
	v12 =	vld [tilespmem:s21+$0x10]  }
0x157: {  	v8 =	vadd.f32 v14, v8;
	v14 =	vld [tilespmem:s21+$0x0];
	v16 =	vperm.xlane v10, v1;
	v9 =	vadd.f32 v11, v9  }
0x158: {  	v20 =	vperm.xlane v13, v0;
	v11 =	vperm.xlane v7, v2  }
0x159: {  	v18 =	vperm.xlane v8, v2;
	v10 =	vadd.f32 v16, v10;
	v16 =	vperm.xlane v9, v2  }
0x15a: {  	v19 =	vld [tilespmem:s21+$0xFFFFFFE0];
	v13 =	vadd.f32 v20, v13;
	v7 =	vadd.f32 v11, v7;
	v11 =	vperm.xlane v15, v0  }
0x15b: {  	v20 =	vperm.xlane v17, v0;
	v8 =	vadd.f32 v18, v8;
	v18 =	vperm.xlane v12, v0  }
0x15c: {  	v9 =	vadd.f32 v16, v9;
	v16 =	vperm.xlane v14, v0;
	v15 =	vadd.f32 v11, v15  }
0x15d: {  	v21 =	vperm.xlane v10, v2;
	v17 =	vadd.f32 v20, v17;
	v22 =	vadd.f32 v18, v12  }
0x15e: {  	v14 =	vadd.f32 v16, v14;
	v18 =	vperm.xlane v13, v1;
	v16 =	vperm.xlane v15, v1  }
0x15f: {  	v10 =	vadd.f32 v21, v10;
	v11 =	vld [tilespmem:s21+$0xFFFFFFD0];
	v21 =	vperm.xlane v19, v0;
	v23 =	vperm.xlane v22, v1  }
0x160: {  	v12 =	vld [tilespmem:s21+$0xFFFFFF80];
	v20 =	vperm.xlane v14, v1;
	v15 =	vadd.f32 v16, v15;
	v16 =	vadd.f32 v18, v13  }
0x161: {  	s20 =	simm.s32 $0x0;
	s22 =	simm.s32 $0x40;
	v13 =	vld [tilespmem:s21+$0xFFFFFF90];
	v18 =	vadd.f32 v21, v19;
	v21 =	vperm.xlane v17, v1;
	v19 =	vadd.f32 v23, v22  }
.LBB2_10:
0x162: {  	p0 =	sne.s32 s22, $0x1FC0;
	v22 =	vld [tilespmem:s21+$0xFFFFFFA0];
	v14 =	vadd.f32 v20, v14;
	v20 =	vperm.xlane v15, v2;
	v23 =	vperm.xlane v16, v2  }
0x163: {  	v24 =	vld [tilespmem:s21+$0xFFFFFFB0];
	v25 =	vperm.xlane v18, v1;
	v17 =	vadd.f32 v21, v17;
	v21 =	vperm.xlane v19, v2  }
0x164: {  	v26 =	vld [tilespmem:s21+$0xFFFFFFC0];
	v27 =	vperm.xlane v14, v2;
	v15 =	vadd.f32 v20, v15;
	v16 =	vadd.f32 v23, v16  }
0x165: {  	v18 =	vadd.f32 v25, v18;
	v20 =	vperm.xlane v17, v2;
	v19 =	vadd.f32 v21, v19  }
0x166: {  	v21 =	vperm.xlane v12, v0;
	v23 =	vperm.xlane v13, v0;
	v14 =	vadd.f32 v27, v14  }
0x167: {  	v25 =	vperm.xlane v22, v0;
	v27 =	vperm.xlane v18, v2;
	v17 =	vadd.f32 v20, v17  }
0x168: {  	v12 =	vadd.f32 v21, v12;
	v13 =	vadd.f32 v23, v13;
	v20 =	vperm.xlane v24, v0  }
0x169: {  	v23 =	vperm.xlane v11, v0;
	v21 =	vadd.f32 v25, v22;
	v22 =	vperm.xlane v26, v0  }
0x16a: {  	v25 =	vperm.xlane v12, v1;
	v28 =	vperm.xlane v13, v1;
	v20 =	vadd.f32 v20, v24  }
0x16b: {  	v11 =	vadd.f32 v23, v11;
	v24 =	vperm.xlane v21, v1;
	v22 =	vadd.f32 v22, v26  }
0x16c: {  	v12 =	vadd.f32 v25, v12;
	v13 =	vadd.f32 v28, v13;
	v23 =	vperm.xlane v20, v1  }
0x16d: {  	v25 =	vperm.xlane v11, v1;
	v21 =	vadd.f32 v24, v21;
	v24 =	vperm.xlane v22, v1  }
0x16e: {  	v26 =	vperm.xlane v12, v2;
	v28 =	vperm.xlane v13, v2;
	v20 =	vadd.f32 v23, v20  }
0x16f: {  	v11 =	vadd.f32 v25, v11;
	v23 =	vperm.xlane v21, v2;
	v22 =	vadd.f32 v24, v22  }
0x170: {  	v12 =	vadd.f32 v26, v12;
	v13 =	vadd.f32 v28, v13;
	v24 =	vperm.xlane v20, v2  }
0x171: {  	v25 =	vperm.xlane v11, v2;
	v21 =	vadd.f32 v23, v21;
	v23 =	vperm.xlane v22, v2  }
0x172: {  	v26 =	vperm.xlane v12, v3;
	v28 =	vperm.xlane v13, v3;
	v20 =	vadd.f32 v24, v20  }
0x173: {  	v11 =	vadd.f32 v25, v11;
	v24 =	vperm.xlane v21, v3;
	v22 =	vadd.f32 v23, v22  }
0x174: {  	v12 =	vadd.f32 v26, v12;
	v13 =	vadd.f32 v28, v13;
	v23 =	vperm.xlane v20, v3  }
0x175: {  	v18 =	vadd.f32 v27, v18;
	v21 =	vadd.f32 v24, v21;
	v24 =	vperm.xlane v22, v3  }
0x176: {  	v12 =	vsel vm0, v12, v13;
	v13 =	vadd.f32 v23, v20;
	v20 =	vperm.xlane v11, v3  }
0x177: {  	v12 =	vsel vm1, v12, v21;
	v21 =	vadd.f32 v24, v22;
	v22 =	vperm.xlane v18, v3  }
0x178: {  	v12 =	vsel vm2, v12, v13;
	v11 =	vadd.f32 v20, v11;
	v13 =	vperm.xlane v17, v3  }
0x179: {  	v20 =	vperm.xlane v14, v3;
	v12 =	vsel vm3, v12, v21;
	v18 =	vadd.f32 v22, v18  }
0x17a: {  	v11 =	vsel vm4, v12, v11;
	v12 =	vadd.f32 v13, v17;
	v13 =	vperm.xlane v19, v3  }
0x17b: {  	v14 =	vadd.f32 v20, v14;
	v17 =	vperm.xlane v15, v3;
	v11 =	vsel vm5, v11, v18  }
0x17c: {  	v11 =	vsel vm6, v11, v12;
	v12 =	vadd.f32 v13, v19;
	v13 =	vperm.xlane v16, v3  }
0x17d: {  	v11 =	vsel vm7, v11, v14;
	v14 =	vadd.f32 v17, v15;
	v15 =	vperm.xlane v10, v3  }
0x17e: {  	v11 =	vsel vm8, v11, v12;
	v12 =	vadd.f32 v13, v16;
	v13 =	vperm.xlane v9, v3  }
0x17f: {  	v11 =	vsel vm9, v11, v14;
	v10 =	vadd.f32 v15, v10;
	v14 =	vperm.xlane v8, v3  }
0x180: {  	v11 =	vsel vm10, v11, v12;
	v9 =	vadd.f32 v13, v9;
	v12 =	vperm.xlane v7, v3  }
0x181: {  	v10 =	vsel vm11, v11, v10;
	v8 =	vadd.f32 v14, v8  }
0x182: {  	v9 =	vsel vm12, v10, v9;
	v7 =	vadd.f32 v12, v7  }
0x183: {  	v8 =	vsel vm13, v9, v8  }
0x184: {  	s23 =	sshra.s32 s20, $0x2;
	s20 =	smov.u32 s22;
	v7 =	vsel vm14, v8, v7  }
0x185: {  	s21 =	sadd.s32 $0x100, s21;
	[tilespmem:s23+$0x18800] =	vst v7  }
0x186: {  	v7 =	vld [tilespmem:s21+$0x70]  }
0x187: {  	v8 =	vld [tilespmem:s21+$0x60]  }
0x188: {  	v9 =	vld [tilespmem:s21+$0x50];
	_ =	sdelay $0x1  }
0x189: {  	v10 =	vld [tilespmem:s21+$0x40]  }
0x18a: {  	v11 =	vperm.xlane v7, v0  }
0x18b: {  	v12 =	vperm.xlane v8, v0  }
0x18c: {  	v13 =	vperm.xlane v9, v0;
	v7 =	vadd.f32 v11, v7  }
0x18d: {  	v8 =	vadd.f32 v12, v8  }
0x18e: {  	v11 =	vperm.xlane v10, v0;
	v9 =	vadd.f32 v13, v9;
	v12 =	vperm.xlane v7, v1  }
0x18f: {  	v13 =	vld [tilespmem:s21+$0x30];
	v14 =	vperm.xlane v8, v1  }
0x190: {  	v15 =	vld [tilespmem:s21+$0x20];
	v10 =	vadd.f32 v11, v10;
	v11 =	vperm.xlane v9, v1;
	v7 =	vadd.f32 v12, v7  }
0x191: {  	v12 =	vld [tilespmem:s21+$0x10];
	v8 =	vadd.f32 v14, v8  }
0x192: {  	v14 =	vld [tilespmem:s21+$0x0];
	v16 =	vperm.xlane v10, v1;
	v9 =	vadd.f32 v11, v9;
	v11 =	vperm.xlane v7, v2  }
0x193: {  	v17 =	vld [tilespmem:s21+$0xFFFFFFF0];
	v18 =	vperm.xlane v8, v2  }
0x194: {  	v10 =	vadd.f32 v16, v10;
	v16 =	vperm.xlane v9, v2;
	v7 =	vadd.f32 v11, v7  }
0x195: {  	v20 =	vperm.xlane v13, v0;
	v19 =	vld [tilespmem:s21+$0xFFFFFFE0];
	v11 =	vperm.xlane v15, v0;
	v8 =	vadd.f32 v18, v8  }
0x196: {  	v18 =	vperm.xlane v12, v0;
	v21 =	vperm.xlane v10, v2;
	v9 =	vadd.f32 v16, v9  }
0x197: {  	v13 =	vadd.f32 v20, v13;
	v16 =	vperm.xlane v14, v0;
	v15 =	vadd.f32 v11, v15  }
.Ltmp4:
0x198: {  	v20 =	vperm.xlane v17, v0;
	v22 =	vadd.f32 v18, v12;
	v10 =	vadd.f32 v21, v10;
	(pc) =	sbr.rel @p0 .LBB2_10-.Ltmp4, $4  }
0x199: {  	v18 =	vperm.xlane v13, v1;
	v14 =	vadd.f32 v16, v14;
	v16 =	vperm.xlane v15, v1  }
0x19a: {  	v11 =	vld [tilespmem:s21+$0xFFFFFFD0];
	v21 =	vperm.xlane v19, v0;
	v17 =	vadd.f32 v20, v17;
	v23 =	vperm.xlane v22, v1  }
0x19b: {  	v12 =	vld [tilespmem:s21+$0xFFFFFF80];
	v20 =	vperm.xlane v14, v1;
	v15 =	vadd.f32 v16, v15;
	v16 =	vadd.f32 v18, v13  }
0x19c: {  	s22 =	sadd.s32 $0x40, s22;
	v13 =	vld [tilespmem:s21+$0xFFFFFF90];
	v18 =	vadd.f32 v21, v19;
	v21 =	vperm.xlane v17, v1;
	v19 =	vadd.f32 v23, v22  }
0x19d: {  	v22 =	vld [tilespmem:s21+$0xFFFFFFA0];
	v14 =	vadd.f32 v20, v14;
	v56 =	vperm.xlane v15, v2;
	v23 =	vperm.xlane v16, v2  }
0x19e: {  	v24 =	vld [tilespmem:s21+$0xFFFFFFB0];
	v25 =	vperm.xlane v18, v1;
	v17 =	vadd.f32 v21, v17;
	v57 =	vperm.xlane v19, v2  }
0x19f: {  	v26 =	vld [tilespmem:s21+$0xFFFFFFC0];
	v27 =	vperm.xlane v14, v2;
	v15 =	vadd.f32 v56, v15;
	v16 =	vadd.f32 v23, v16  }
0x1a0: {  	v34 =	vperm.xlane v11, v0;
	v18 =	vadd.f32 v25, v18;
	v58 =	vperm.xlane v17, v2  }
0x1a1: {  	v19 =	vadd.f32 v57, v19;
	v59 =	vperm.xlane v12, v0;
	v60 =	vperm.xlane v13, v0  }
0x1a2: {  	v14 =	vadd.f32 v27, v14;
	v11 =	vadd.f32 v34, v11;
	v61 =	vperm.xlane v22, v0  }
0x1a3: {  	v12 =	vadd.f32 v59, v12;
	v63 =	vperm.xlane v24, v0;
	v13 =	vadd.f32 v60, v13  }
0x1a4: {  	v62 =	vperm.xlane v18, v2;
	v33 =	vperm.xlane v26, v0;
	v32 =	vadd.f32 v61, v22  }
0x1a5: {  	v35 =	vperm.xlane v12, v1;
	v20 =	vadd.f32 v63, v24;
	v28 =	vperm.xlane v13, v1  }
0x1a6: {  	v17 =	vadd.f32 v58, v17;
	v22 =	vadd.f32 v33, v26;
	v36 =	vperm.xlane v32, v1  }
0x1a7: {  	v12 =	vadd.f32 v35, v12;
	v37 =	vperm.xlane v20, v1;
	v13 =	vadd.f32 v28, v13  }
0x1a8: {  	v39 =	vperm.xlane v11, v1;
	v38 =	vperm.xlane v22, v1;
	v21 =	vadd.f32 v36, v32  }
0x1a9: {  	v40 =	vperm.xlane v12, v2;
	v20 =	vadd.f32 v37, v20;
	v28 =	vperm.xlane v13, v2  }
0x1aa: {  	v11 =	vadd.f32 v39, v11;
	v22 =	vadd.f32 v38, v22;
	v41 =	vperm.xlane v21, v2  }
0x1ab: {  	v12 =	vadd.f32 v40, v12;
	v42 =	vperm.xlane v20, v2;
	v13 =	vadd.f32 v28, v13  }
0x1ac: {  	v25 =	vperm.xlane v11, v2;
	v43 =	vperm.xlane v22, v2;
	v21 =	vadd.f32 v41, v21  }
0x1ad: {  	v26 =	vperm.xlane v12, v3;
	v20 =	vadd.f32 v42, v20;
	v28 =	vperm.xlane v13, v3  }
0x1ae: {  	v11 =	vadd.f32 v25, v11;
	v22 =	vadd.f32 v43, v22;
	v44 =	vperm.xlane v21, v3  }
0x1af: {  	v12 =	vadd.f32 v26, v12;
	v45 =	vperm.xlane v20, v3;
	v13 =	vadd.f32 v28, v13  }
0x1b0: {  	v18 =	vadd.f32 v62, v18;
	v46 =	vperm.xlane v22, v3;
	v21 =	vadd.f32 v44, v21  }
0x1b1: {  	v48 =	vperm.xlane v11, v3;
	v47 =	vadd.f32 v45, v20;
	v12 =	vsel vm0, v12, v13  }
0x1b2: {  	v50 =	vperm.xlane v18, v3;
	v49 =	vadd.f32 v46, v22;
	v12 =	vsel vm1, v12, v21  }
0x1b3: {  	v51 =	vperm.xlane v17, v3;
	v11 =	vadd.f32 v48, v11;
	v12 =	vsel vm2, v12, v47  }
0x1b4: {  	v52 =	vperm.xlane v14, v3;
	v18 =	vadd.f32 v50, v18;
	v12 =	vsel vm3, v12, v49  }
0x1b5: {  	v54 =	vperm.xlane v19, v3;
	v53 =	vadd.f32 v51, v17;
	v11 =	vsel vm4, v12, v11  }
0x1b6: {  	v55 =	vperm.xlane v15, v3;
	v14 =	vadd.f32 v52, v14;
	v11 =	vsel vm5, v11, v18  }
0x1b7: {  	v57 =	vperm.xlane v16, v3;
	v56 =	vadd.f32 v54, v19;
	v11 =	vsel vm6, v11, v53  }
0x1b8: {  	v59 =	vperm.xlane v10, v3;
	v58 =	vadd.f32 v55, v15;
	v11 =	vsel vm7, v11, v14  }
0x1b9: {  	v60 =	vadd.f32 v57, v16;
	v61 =	vperm.xlane v9, v3;
	v11 =	vsel vm8, v11, v56  }
0x1ba: {  	v10 =	vadd.f32 v59, v10;
	v62 =	vperm.xlane v8, v3;
	v11 =	vsel vm9, v11, v58  }
0x1bb: {  	v63 =	vperm.xlane v7, v3;
	v9 =	vadd.f32 v61, v9;
	v11 =	vsel vm10, v11, v60  }
0x1bc: {  	v8 =	vadd.f32 v62, v8;
	v10 =	vsel vm11, v11, v10  }
0x1bd: {  	v7 =	vadd.f32 v63, v7;
	v9 =	vsel vm12, v10, v9  }
0x1be: {  	s19 =	sadd.s32 $0x1, s19;
	v8 =	vsel vm13, v9, v8  }
0x1bf: {  	s20 =	sshra.s32 s20, $0x2;
	p0 =	sne.s32 s19, s8;
	v7 =	vsel vm14, v8, v7  }
.Ltmp5:
0x1c0: {  	[tilespmem:s20+$0x18800] =	vst v7;
	(pc) =	sbr.rel @p0 .LBB2_1-.Ltmp5, $4  }
0x1c1: {  	[hbm4b:s7+s16] =	stream.strided.scatter [tilespmem:s18], [sflag:$0x3], $0x800, s17, s16, $0x38;
	[tilespmem:$0x19000] =	vst v63  }
0x1c2: {  	_ =	swait.ge [sflag:s10], $0x800  }
0x1c3: {  	[sflag:s10] =	ssyncset.done $0x0  }
0x1c4: {  	[sflag:s10] =	ssyncadd.s32 $0xFFFFF800  }
0x1c5: {  	_ =	sfence.sel $0x180000  }
0x1c6: {  	[bflag:$0x0] =	sbarrier.arrive $0xFFFF  }
0x1c7: {  	p0 =	sne.s32 s3, $0x0;
	_ =	strace $0x90000047  }
0x1c8: {  	s0 =	sadd.s32 @!p0 $0x100000, s1;
	[bflag:$0x2] =	sbarrier.arrive $0xFFFF  }
0x1c9: {  	[sflag:s0] =	ssyncadd.tile.s32 @!p0 $0x1;
	_ =	shalt  }
.Lfunc_end2:
_tile_overlayer_lowered:
.L_overlay_start_2:
0x1ca: {  	(tag) =	ssettag $0x2  }
0x1cb: {  	s0 =	rddreg [dreg:$0x0];
	s2 =	stileid.u32  }
0x1cc: {  	s1 =	rddreg [dreg:$0x1];
	p0 =	sne.s32 s2, $0x0  }
0x1cd: {  	s3 =	rddreg [dreg:$0x2];
	[bflag:$0x3] =	sbarrier.arrive $0xFFFF;
	s2 =	simm.s32 @!p0 $0x1C03  }
0x1ce: {  	[timem:s3], [sflag:s2] =	dma.local @!p0 [hbm:s0], s1  }
0x1cf: {  	s0 =	simm.s32 @!p0 $0x3  }
0x1d0: {  	_ =	swait.ge @!p0 [sflag:s0], s1  }
0x1d1: {  	s1 =	ssub.s32 @!p0 $0x0, s1;
	[sflag:s0] =	ssyncset.done @!p0 $0x0  }
0x1d2: {  	[sflag:s0] =	ssyncadd.s32 @!p0 s1  }
0x1d3: {  	[bflag:$0x3] =	sbarrier.arrive $0xFFFF  }
0x1d4: {  	_ =	shalt  }

</sc_bundles>
